<compile_context>
chip_gen: v7x
topology: tpu7x:2x2x1
jax: 0.10.2.dev20260603
libtpu: 0.0.44.dev20260713+nightly
codegen_flags: <defaults>
</compile_context>

<pallas_src>
import functools

import jax
import jax.numpy as jnp
from jax import lax
from jax.experimental import pallas as pl
from jax.experimental.pallas import tpu as pltpu
from jax.experimental.pallas import tpu_sc as plsc

N = 10000
E = 320000
IN_FEATS = 128
HIDDEN = 128
MSG = 64
OUT_FEATS = 128
AUG = 80

NC = 2
NS = 16
NW = NC * NS
EPW = E // NW
CHUNK = 80
NCHUNK = EPW // CHUNK
NBUF = 8
DEPTH = NBUF // 2
NPAD = 10240
ROWS_PER_TILE = NPAD // NS

ROW_BLOCK = 1000
GRID = N // ROW_BLOCK


def _mlp_body(x_ref, w1t_ref, b1_ref, w2t_ref, b2_ref, m_ref):
    xb = x_ref[...].astype(jnp.bfloat16)
    h1 = jnp.dot(xb, w1t_ref[...], preferred_element_type=jnp.float32)
    h1 = jnp.maximum(h1 + b1_ref[...], 0.0)
    m = jnp.dot(h1.astype(jnp.bfloat16), w2t_ref[...],
                preferred_element_type=jnp.float32)
    m = jnp.maximum(m + b2_ref[...], 0.0)
    one = jnp.ones((ROW_BLOCK, 1), jnp.float32)
    pad = jnp.zeros((ROW_BLOCK, AUG - MSG - 1), jnp.float32)
    m_ref[...] = jnp.concatenate([m, one, pad], axis=1)


def _node_mlp(x, w1t, b1, w2t, b2):
    return pl.pallas_call(
        _mlp_body,
        grid=(GRID,),
        in_specs=[
            pl.BlockSpec((ROW_BLOCK, IN_FEATS), lambda i: (i, 0)),
            pl.BlockSpec((IN_FEATS, HIDDEN), lambda i: (0, 0)),
            pl.BlockSpec((1, HIDDEN), lambda i: (0, 0)),
            pl.BlockSpec((HIDDEN, MSG), lambda i: (0, 0)),
            pl.BlockSpec((1, MSG), lambda i: (0, 0)),
        ],
        out_specs=pl.BlockSpec((ROW_BLOCK, AUG), lambda i: (i, 0)),
        out_shape=jax.ShapeDtypeStruct((N, AUG), jnp.float32),
    )(x, w1t, b1, w2t, b2)


def _sc_agg_body(m_hbm, src_hbm, dst_hbm, acc_out,
                 src_v, dst_v, rows_v, acc_sh, sem_g, sem_s):
    c = lax.axis_index("c")
    s = lax.axis_index("s")
    wid = s * NC + c

    z16 = jnp.zeros((16,), jnp.float32)

    def _fill_zeros(i, carry):
        for k in range(AUG // 16):
            rows_v[0, i, pl.ds(16 * k, 16)] = z16
        return carry

    lax.fori_loop(0, CHUNK, _fill_zeros, 0)

    base_row = s * ROWS_PER_TILE
    for r in range(ROWS_PER_TILE // CHUNK):
        pltpu.sync_copy(rows_v.at[0], acc_sh.at[pl.ds(base_row + r * CHUNK, CHUNK)])
    plsc.subcore_barrier()

    pltpu.sync_copy(src_hbm.at[wid], src_v)
    pltpu.sync_copy(dst_hbm.at[wid], dst_v)

    for p in range(DEPTH):
        pltpu.async_copy(m_hbm.at[src_v.at[p]], rows_v.at[p], sem_g)

    def _chunk(j, carry):
        b = lax.rem(j, NBUF)
        pltpu.make_async_copy(m_hbm.at[src_v.at[j]], rows_v.at[b], sem_g).wait()
        pltpu.async_copy(rows_v.at[b], acc_sh.at[dst_v.at[j]], sem_s, add=True)

        @pl.when(j >= DEPTH)
        def _wait_old_scatter():
            bo = lax.rem(j - DEPTH, NBUF)
            pltpu.make_async_copy(rows_v.at[bo], acc_sh.at[dst_v.at[j - DEPTH]],
                                  sem_s).wait()

        @pl.when(j + DEPTH < NCHUNK)
        def _start_next_gather():
            bn = lax.rem(j + DEPTH, NBUF)
            pltpu.async_copy(m_hbm.at[src_v.at[j + DEPTH]], rows_v.at[bn], sem_g)

        return carry

    lax.fori_loop(0, NCHUNK, _chunk, 0)
    for p in range(DEPTH):
        jj = NCHUNK - DEPTH + p
        pltpu.make_async_copy(rows_v.at[jj % NBUF],
                              acc_sh.at[dst_v.at[jj]], sem_s).wait()
    plsc.subcore_barrier()

    pltpu.sync_copy(acc_sh.at[pl.ds(base_row, ROWS_PER_TILE)],
                    acc_out.at[c, pl.ds(base_row, ROWS_PER_TILE), pl.ds(0, AUG)])


_sc_agg = functools.partial(
    pl.kernel,
    out_type=jax.ShapeDtypeStruct((NC, NPAD, 128), jnp.float32),
    mesh=plsc.VectorSubcoreMesh(core_axis_name="c", subcore_axis_name="s"),
    scratch_types=[
        pltpu.VMEM((NCHUNK, CHUNK), jnp.int32),
        pltpu.VMEM((NCHUNK, CHUNK), jnp.int32),
        pltpu.VMEM((NBUF, CHUNK, AUG), jnp.float32),
        pltpu.VMEM_SHARED((NPAD, AUG), jnp.float32),
        pltpu.SemaphoreType.DMA,
        pltpu.SemaphoreType.DMA,
    ],
    compiler_params=pltpu.CompilerParams(use_tc_tiling_on_sc=False),
)(_sc_agg_body)


def _gru_body(x_ref, z_ref, acc_ref, wixt_ref, wiyt_ref, whht_ref,
              bih_ref, bhh_ref, out_ref, out2_ref):
    acc = acc_ref[...]
    msum = acc[0] + acc[1]
    y = msum[:, :MSG] / jnp.maximum(msum[:, MSG:MSG + 1], 1.0)

    gi = jnp.dot(x_ref[...], wixt_ref[...], preferred_element_type=jnp.float32)
    gi = gi + jnp.dot(y, wiyt_ref[...], preferred_element_type=jnp.float32)
    gi = gi + bih_ref[...]
    gh = jnp.dot(z_ref[...], whht_ref[...], preferred_element_type=jnp.float32)
    gh = gh + bhh_ref[...]

    r = jax.nn.sigmoid(gi[:, :OUT_FEATS] + gh[:, :OUT_FEATS])
    u = jax.nn.sigmoid(gi[:, OUT_FEATS:2 * OUT_FEATS] + gh[:, OUT_FEATS:2 * OUT_FEATS])
    n = jnp.tanh(gi[:, 2 * OUT_FEATS:] + r * gh[:, 2 * OUT_FEATS:])
    h = (1.0 - u) * n + u * z_ref[...]
    out_ref[...] = h
    out2_ref[...] = h


def _gru_update(x, z, acc, wixt, wiyt, whht, bih, bhh):
    return pl.pallas_call(
        _gru_body,
        grid=(GRID,),
        in_specs=[
            pl.BlockSpec((ROW_BLOCK, IN_FEATS), lambda i: (i, 0)),
            pl.BlockSpec((ROW_BLOCK, OUT_FEATS), lambda i: (i, 0)),
            pl.BlockSpec((NC, ROW_BLOCK, 128), lambda i: (0, i, 0)),
            pl.BlockSpec((IN_FEATS, 3 * OUT_FEATS), lambda i: (0, 0)),
            pl.BlockSpec((MSG, 3 * OUT_FEATS), lambda i: (0, 0)),
            pl.BlockSpec((OUT_FEATS, 3 * OUT_FEATS), lambda i: (0, 0)),
            pl.BlockSpec((1, 3 * OUT_FEATS), lambda i: (0, 0)),
            pl.BlockSpec((1, 3 * OUT_FEATS), lambda i: (0, 0)),
        ],
        out_specs=[pl.BlockSpec((ROW_BLOCK, OUT_FEATS), lambda i: (i, 0)),
                   pl.BlockSpec((ROW_BLOCK, OUT_FEATS), lambda i: (i, 0))],
        out_shape=[jax.ShapeDtypeStruct((N, OUT_FEATS), jnp.float32),
                   jax.ShapeDtypeStruct((N, OUT_FEATS), jnp.float32)],
    )(x, z, acc, wixt, wiyt, whht, bih, bhh)


def kernel(x, z, edge_index, W1, b1, W2, b2, Wih, Whh, bih, bhh):
    src = edge_index[0].reshape(NW, NCHUNK, CHUNK)
    dst = edge_index[1].reshape(NW, NCHUNK, CHUNK)

    m = _node_mlp(x, W1.T.astype(jnp.bfloat16), b1.reshape(1, HIDDEN),
                  W2.T.astype(jnp.bfloat16), b2.reshape(1, MSG))
    acc = _sc_agg(m, src, dst)
    h_out, h_out2 = _gru_update(
        x, z, acc,
        Wih[:, :IN_FEATS].T, Wih[:, IN_FEATS:].T, Whh.T,
        bih.reshape(1, 3 * OUT_FEATS), bhh.reshape(1, 3 * OUT_FEATS),
    )
    return (h_out, h_out2)

# --- scband reference (transcript-rebuilt; emitter-appended) ---
"""Pipeline reference for scband-continuous-message-passing-29703993819530 (READ-ONLY COPY).

The authoritative reference and input builder live on the scoring server;
editing this copy changes nothing except your own understanding.
"""

import jax, jax.numpy as jnp
import numpy as np

N = 10000
E = 320000
IN_FEATS = 128
OUT_FEATS = 128
HIDDEN = 128
MSG = 64


def setup_inputs(seed: int = 0) -> dict:
    key = jax.random.key(seed)
    ks = jax.random.split(key, 8)
    s = 0.05
    x = jax.random.normal(ks[0], (N, IN_FEATS), dtype=jnp.float32)
    z = jax.random.normal(ks[1], (N, OUT_FEATS), dtype=jnp.float32)
    edge_index = jax.random.randint(ks[2], (2, E), 0, N, dtype=jnp.int32)
    # f_enc: Linear(IN_FEATS, HIDDEN) + ReLU, Linear(HIDDEN, MSG) + ReLU (output_activation)
    W1 = jax.random.normal(ks[3], (HIDDEN, IN_FEATS), dtype=jnp.float32) * s
    b1 = jnp.zeros((HIDDEN,), dtype=jnp.float32)
    W2 = jax.random.normal(ks[4], (MSG, HIDDEN), dtype=jnp.float32) * s
    b2 = jnp.zeros((MSG,), dtype=jnp.float32)
    # GRUCell(input=IN_FEATS+MSG, hidden=OUT_FEATS)
    Wih = jax.random.normal(ks[5], (3 * OUT_FEATS, IN_FEATS + MSG), dtype=jnp.float32) * s
    Whh = jax.random.normal(ks[6], (3 * OUT_FEATS, OUT_FEATS), dtype=jnp.float32) * s
    bih = jnp.zeros((3 * OUT_FEATS,), dtype=jnp.float32)
    bhh = jnp.zeros((3 * OUT_FEATS,), dtype=jnp.float32)
    return {"x": x, "z": z, "edge_index": edge_index,
            "W1": W1, "b1": b1, "W2": W2, "b2": b2,
            "Wih": Wih, "Whh": Whh, "bih": bih, "bhh": bhh}


def gru_cell(inp, h, Wih, Whh, bih, bhh):
    gi = inp @ Wih.T + bih
    gh = h @ Whh.T + bhh
    i_r, i_z, i_n = jnp.split(gi, 3, axis=1)
    h_r, h_z, h_n = jnp.split(gh, 3, axis=1)
    r = jax.nn.sigmoid(i_r + h_r)
    u = jax.nn.sigmoid(i_z + h_z)
    n = jnp.tanh(i_n + r * h_n)
    return (1.0 - u) * n + u * h


def reference(x, z, edge_index, W1, b1, W2, b2, Wih, Whh, bih, bhh):
    src = edge_index[0]
    dst = edge_index[1]
    # msg_func: f_enc applied to edges.src['x'] (per-edge gather then MLP)
    xs = jnp.take(x, src, axis=0)                      # [E, IN_FEATS] gather
    h1 = jax.nn.relu(xs @ W1.T + b1)                   # [E, HIDDEN]
    m = jax.nn.relu(h1 @ W2.T + b2)                    # [E, MSG]
    # aggr_func: mean over mailbox per destination node (scatter-add + degree normalize)
    msum = jax.ops.segment_sum(m, dst, num_segments=N) # [N, MSG]
    deg = jax.ops.segment_sum(jnp.ones((E,), dtype=jnp.float32), dst, num_segments=N)
    y = msum / jnp.maximum(deg, 1.0)[:, None]
    # f_udt: GRUCell(cat(x, y), z)
    h_out = gru_cell(jnp.concatenate([x, y], axis=1), z, Wih, Whh, bih, bhh)
    return (h_out, h_out)

if __name__ == "__main__":
    import jax
    _d = setup_inputs()
    print(jax.jit(kernel)(*tuple(_d.values())))

</pallas_src>

<mosaic_0001>
#map = affine_map<(d0, d1) -> (0, 0)>
#map1 = affine_map<(d0, d1) -> (0, 0, 0)>
module attributes {stable_mosaic.version = 14 : i64} {
  func.func @_sc_agg_body(%arg0: i32, %arg1: i32, %arg2: memref<10000x80xf32, #tpu.memory_space<hbm>>, %arg3: memref<32x125x80xi32, #tpu.memory_space<hbm>>, %arg4: memref<32x125x80xi32, #tpu.memory_space<hbm>>, %arg5: memref<2x10240x128xf32, #tpu.memory_space<hbm>>, %arg6: memref<125x80xi32, #tpu.memory_space<vmem>>, %arg7: memref<125x80xi32, #tpu.memory_space<vmem>>, %arg8: memref<8x80x80xf32, #tpu.memory_space<vmem>>, %arg9: memref<10240x80xf32, #tpu.memory_space<vmem_shared>>, %arg10: memref<!tpu.dma_semaphore, #tpu.memory_space<semaphore_mem>>, %arg11: memref<!tpu.dma_semaphore, #tpu.memory_space<semaphore_mem>>) attributes {dimension_semantics = [#tpu.dimension_semantics<core_parallel>, #tpu.dimension_semantics<subcore_parallel>], iteration_bounds = array<i64: 2, 16>, scalar_prefetch = 0 : i64, scratch_operands = 6 : i64, tpu.core_type = #tpu.core_type<sc_vector_subcore>, window_params = [{transform_indices = #map}, {transform_indices = #map1}, {transform_indices = #map1}, {transform_indices = #map1}]} {
    %mul3A = arith.constant 2 : i32
    %mul3A_0 = arith.muli %arg1, %mul3A : i32
    %add3A = arith.addi %mul3A_0, %arg0 : i32
    %broadcast_in_dim3A = arith.constant 0.000000e+00 : f32
    %broadcast_in_dim3A_1 = vector.broadcast %broadcast_in_dim3A : f32 to vector<16xf32>
    %scan3A = arith.constant 0 : i32
    %scan3A_2 = arith.constant 0 : i32
    %scan3A_3 = arith.constant 80 : i32
    %scan3A_4 = arith.addi %scan3A_2, %scan3A_3 : i32
    %scan3A_5 = arith.constant 1 : i32
    scf.for %scan3A_133 = %scan3A_2 to %scan3A_4 step %scan3A_5  : i32 {
      %swap3A = arith.constant 0 : i32
      %swap3A_134 = arith.index_cast %swap3A : i32 to index
      %swap3A_135 = arith.index_cast %scan3A_133 : i32 to index
      %swap3A_136 = arith.constant 0 : index
      %swap3A_137 = tpu.vector_load %arg8[%swap3A_134, %swap3A_135, %swap3A_136] {strides = array<i32>} : memref<8x80x80xf32, #tpu.memory_space<vmem>>, vector<1x1x16xf32>,
      %swap3A_138 = vector.shape_cast %swap3A_137 : vector<1x1x16xf32> to vector<16xf32>
      %swap3A_139 = vector.shape_cast %broadcast_in_dim3A_1 : vector<16xf32> to vector<1x1x16xf32>
      tpu.vector_store %arg8[%swap3A_134, %swap3A_135, %swap3A_136], %swap3A_139 {strides = array<i32>} : memref<8x80x80xf32, #tpu.memory_space<vmem>>, vector<1x1x16xf32>,
      %swap3A_140 = arith.constant 0 : i32
      %swap3A_141 = arith.index_cast %swap3A_140 : i32 to index
      %swap3A_142 = arith.index_cast %scan3A_133 : i32 to index
      %swap3A_143 = arith.constant 16 : index
      %swap3A_144 = tpu.vector_load %arg8[%swap3A_141, %swap3A_142, %swap3A_143] {strides = array<i32>} : memref<8x80x80xf32, #tpu.memory_space<vmem>>, vector<1x1x16xf32>,
      %swap3A_145 = vector.shape_cast %swap3A_144 : vector<1x1x16xf32> to vector<16xf32>
      %swap3A_146 = vector.shape_cast %broadcast_in_dim3A_1 : vector<16xf32> to vector<1x1x16xf32>
      tpu.vector_store %arg8[%swap3A_141, %swap3A_142, %swap3A_143], %swap3A_146 {strides = array<i32>} : memref<8x80x80xf32, #tpu.memory_space<vmem>>, vector<1x1x16xf32>,
      %swap3A_147 = arith.constant 0 : i32
      %swap3A_148 = arith.index_cast %swap3A_147 : i32 to index
      %swap3A_149 = arith.index_cast %scan3A_133 : i32 to index
      %swap3A_150 = arith.constant 32 : index
      %swap3A_151 = tpu.vector_load %arg8[%swap3A_148, %swap3A_149, %swap3A_150] {strides = array<i32>} : memref<8x80x80xf32, #tpu.memory_space<vmem>>, vector<1x1x16xf32>,
      %swap3A_152 = vector.shape_cast %swap3A_151 : vector<1x1x16xf32> to vector<16xf32>
      %swap3A_153 = vector.shape_cast %broadcast_in_dim3A_1 : vector<16xf32> to vector<1x1x16xf32>
      tpu.vector_store %arg8[%swap3A_148, %swap3A_149, %swap3A_150], %swap3A_153 {strides = array<i32>} : memref<8x80x80xf32, #tpu.memory_space<vmem>>, vector<1x1x16xf32>,
      %swap3A_154 = arith.constant 0 : i32
      %swap3A_155 = arith.index_cast %swap3A_154 : i32 to index
      %swap3A_156 = arith.index_cast %scan3A_133 : i32 to index
      %swap3A_157 = arith.constant 48 : index
      %swap3A_158 = tpu.vector_load %arg8[%swap3A_155, %swap3A_156, %swap3A_157] {strides = array<i32>} : memref<8x80x80xf32, #tpu.memory_space<vmem>>, vector<1x1x16xf32>,
      %swap3A_159 = vector.shape_cast %swap3A_158 : vector<1x1x16xf32> to vector<16xf32>
      %swap3A_160 = vector.shape_cast %broadcast_in_dim3A_1 : vector<16xf32> to vector<1x1x16xf32>
      tpu.vector_store %arg8[%swap3A_155, %swap3A_156, %swap3A_157], %swap3A_160 {strides = array<i32>} : memref<8x80x80xf32, #tpu.memory_space<vmem>>, vector<1x1x16xf32>,
      %swap3A_161 = arith.constant 0 : i32
      %swap3A_162 = arith.index_cast %swap3A_161 : i32 to index
      %swap3A_163 = arith.index_cast %scan3A_133 : i32 to index
      %swap3A_164 = arith.constant 64 : index
      %swap3A_165 = tpu.vector_load %arg8[%swap3A_162, %swap3A_163, %swap3A_164] {strides = array<i32>} : memref<8x80x80xf32, #tpu.memory_space<vmem>>, vector<1x1x16xf32>,
      %swap3A_166 = vector.shape_cast %swap3A_165 : vector<1x1x16xf32> to vector<16xf32>
      %swap3A_167 = vector.shape_cast %broadcast_in_dim3A_1 : vector<16xf32> to vector<1x1x16xf32>
      tpu.vector_store %arg8[%swap3A_162, %swap3A_163, %swap3A_164], %swap3A_167 {strides = array<i32>} : memref<8x80x80xf32, #tpu.memory_space<vmem>>, vector<1x1x16xf32>,
    }
    %scan3A_6 = arith.constant 80 : i32
    %mul3A_7 = arith.constant 640 : i32
    %mul3A_8 = arith.muli %arg1, %mul3A_7 : i32
    %add3A_9 = arith.constant 0 : i32
    %add3A_10 = arith.addi %mul3A_8, %add3A_9 : i32
    %run_scoped3A = arith.constant 0 : i32
    "tpu.region"() ({
      %run_scoped3A_133 = tpu.sem_alloc : memref<!tpu.dma_semaphore, #tpu.memory_space<semaphore_mem>>
      %dma_start3A_134 = arith.constant 0 : i32
      %dma_start3A_135 = arith.constant 0 : i32
      %dma_start3A_136 = tpu.memref_slice %arg8[%run_scoped3A, %dma_start3A_134, %dma_start3A_135] : memref<8x80x80xf32, #tpu.memory_space<vmem>> -> memref<1x80x80xf32, #tpu.memory_space<vmem>>
      %dma_start3A_137 = tpu.memref_squeeze %dma_start3A_136 : memref<1x80x80xf32, #tpu.memory_space<vmem>> -> memref<80x80xf32, #tpu.memory_space<vmem>>
      %dma_start3A_138 = arith.constant 0 : i32
      %dma_start3A_139 = tpu.memref_slice %arg9[%add3A_10, %dma_start3A_138] : memref<10240x80xf32, #tpu.memory_space<vmem_shared>> -> memref<80x80xf32, #tpu.memory_space<vmem_shared>>
      %dma_start3A_140 = arith.constant 0 : i32
      %dma_start3A_141 = tpu.memref_slice %arg9[%add3A_10, %dma_start3A_140] : memref<10240x80xf32, #tpu.memory_space<vmem_shared>> -> memref<80x80xf32, #tpu.memory_space<vmem_shared>>
      %dma_start3A_142 = arith.constant 0 : i32
      %dma_start3A_143 = arith.constant 0 : i32
      %dma_start3A_144 = tpu.memref_slice %arg8[%run_scoped3A, %dma_start3A_142, %dma_start3A_143] : memref<8x80x80xf32, #tpu.memory_space<vmem>> -> memref<1x80x80xf32, #tpu.memory_space<vmem>>
      %dma_start3A_145 = tpu.memref_squeeze %dma_start3A_144 : memref<1x80x80xf32, #tpu.memory_space<vmem>> -> memref<80x80xf32, #tpu.memory_space<vmem>>
      tpu.enqueue_dma source(%dma_start3A_145 : memref<80x80xf32, #tpu.memory_space<vmem>>) target(%dma_start3A_141 : memref<80x80xf32, #tpu.memory_space<vmem_shared>>) target_semaphore(%run_scoped3A_133 : memref<!tpu.dma_semaphore, #tpu.memory_space<semaphore_mem>>)
      %dma_wait3A_146 = arith.constant 0 : i32
      %dma_wait3A_147 = arith.constant 0 : i32
      %dma_wait3A_148 = tpu.memref_slice %arg8[%run_scoped3A, %dma_wait3A_146, %dma_wait3A_147] : memref<8x80x80xf32, #tpu.memory_space<vmem>> -> memref<1x80x80xf32, #tpu.memory_space<vmem>>
      %dma_wait3A_149 = tpu.memref_squeeze %dma_wait3A_148 : memref<1x80x80xf32, #tpu.memory_space<vmem>> -> memref<80x80xf32, #tpu.memory_space<vmem>>
      %dma_wait3A_150 = arith.constant 0 : i32
      %dma_wait3A_151 = tpu.memref_slice %arg9[%add3A_10, %dma_wait3A_150] : memref<10240x80xf32, #tpu.memory_space<vmem_shared>> -> memref<80x80xf32, #tpu.memory_space<vmem_shared>>
      %dma_wait3A_152 = arith.constant 0 : i32
      %dma_wait3A_153 = tpu.memref_slice %arg9[%add3A_10, %dma_wait3A_152] : memref<10240x80xf32, #tpu.memory_space<vmem_shared>> -> memref<80x80xf32, #tpu.memory_space<vmem_shared>>
      %dma_wait3A_154 = arith.constant 0 : i32
      %dma_wait3A_155 = arith.constant 0 : i32
      %dma_wait3A_156 = tpu.memref_slice %arg8[%run_scoped3A, %dma_wait3A_154, %dma_wait3A_155] : memref<8x80x80xf32, #tpu.memory_space<vmem>> -> memref<1x80x80xf32, #tpu.memory_space<vmem>>
      %dma_wait3A_157 = tpu.memref_squeeze %dma_wait3A_156 : memref<1x80x80xf32, #tpu.memory_space<vmem>> -> memref<80x80xf32, #tpu.memory_space<vmem>>
      tpu.wait_dma2 semaphore(%run_scoped3A_133 : memref<!tpu.dma_semaphore, #tpu.memory_space<semaphore_mem>>) src(%dma_wait3A_157 : memref<80x80xf32, #tpu.memory_space<vmem>>) dst(%dma_wait3A_153 : memref<80x80xf32, #tpu.memory_space<vmem_shared>>)
      tpu.yield
    }) : () -> ()
    %add3A_11 = arith.constant 80 : i32
    %add3A_12 = arith.addi %mul3A_8, %add3A_11 : i32
    %run_scoped3A_13 = arith.constant 0 : i32
    "tpu.region"() ({
      %run_scoped3A_133 = tpu.sem_alloc : memref<!tpu.dma_semaphore, #tpu.memory_space<semaphore_mem>>
      %dma_start3A_134 = arith.constant 0 : i32
      %dma_start3A_135 = arith.constant 0 : i32
      %dma_start3A_136 = tpu.memref_slice %arg8[%run_scoped3A_13, %dma_start3A_134, %dma_start3A_135] : memref<8x80x80xf32, #tpu.memory_space<vmem>> -> memref<1x80x80xf32, #tpu.memory_space<vmem>>
      %dma_start3A_137 = tpu.memref_squeeze %dma_start3A_136 : memref<1x80x80xf32, #tpu.memory_space<vmem>> -> memref<80x80xf32, #tpu.memory_space<vmem>>
      %dma_start3A_138 = arith.constant 0 : i32
      %dma_start3A_139 = tpu.memref_slice %arg9[%add3A_12, %dma_start3A_138] : memref<10240x80xf32, #tpu.memory_space<vmem_shared>> -> memref<80x80xf32, #tpu.memory_space<vmem_shared>>
      %dma_start3A_140 = arith.constant 0 : i32
      %dma_start3A_141 = tpu.memref_slice %arg9[%add3A_12, %dma_start3A_140] : memref<10240x80xf32, #tpu.memory_space<vmem_shared>> -> memref<80x80xf32, #tpu.memory_space<vmem_shared>>
      %dma_start3A_142 = arith.constant 0 : i32
      %dma_start3A_143 = arith.constant 0 : i32
      %dma_start3A_144 = tpu.memref_slice %arg8[%run_scoped3A_13, %dma_start3A_142, %dma_start3A_143] : memref<8x80x80xf32, #tpu.memory_space<vmem>> -> memref<1x80x80xf32, #tpu.memory_space<vmem>>
      %dma_start3A_145 = tpu.memref_squeeze %dma_start3A_144 : memref<1x80x80xf32, #tpu.memory_space<vmem>> -> memref<80x80xf32, #tpu.memory_space<vmem>>
      tpu.enqueue_dma source(%dma_start3A_145 : memref<80x80xf32, #tpu.memory_space<vmem>>) target(%dma_start3A_141 : memref<80x80xf32, #tpu.memory_space<vmem_shared>>) target_semaphore(%run_scoped3A_133 : memref<!tpu.dma_semaphore, #tpu.memory_space<semaphore_mem>>)
      %dma_wait3A_146 = arith.constant 0 : i32
      %dma_wait3A_147 = arith.constant 0 : i32
      %dma_wait3A_148 = tpu.memref_slice %arg8[%run_scoped3A_13, %dma_wait3A_146, %dma_wait3A_147] : memref<8x80x80xf32, #tpu.memory_space<vmem>> -> memref<1x80x80xf32, #tpu.memory_space<vmem>>
      %dma_wait3A_149 = tpu.memref_squeeze %dma_wait3A_148 : memref<1x80x80xf32, #tpu.memory_space<vmem>> -> memref<80x80xf32, #tpu.memory_space<vmem>>
      %dma_wait3A_150 = arith.constant 0 : i32
      %dma_wait3A_151 = tpu.memref_slice %arg9[%add3A_12, %dma_wait3A_150] : memref<10240x80xf32, #tpu.memory_space<vmem_shared>> -> memref<80x80xf32, #tpu.memory_space<vmem_shared>>
      %dma_wait3A_152 = arith.constant 0 : i32
      %dma_wait3A_153 = tpu.memref_slice %arg9[%add3A_12, %dma_wait3A_152] : memref<10240x80xf32, #tpu.memory_space<vmem_shared>> -> memref<80x80xf32, #tpu.memory_space<vmem_shared>>
      %dma_wait3A_154 = arith.constant 0 : i32
      %dma_wait3A_155 = arith.constant 0 : i32
      %dma_wait3A_156 = tpu.memref_slice %arg8[%run_scoped3A_13, %dma_wait3A_154, %dma_wait3A_155] : memref<8x80x80xf32, #tpu.memory_space<vmem>> -> memref<1x80x80xf32, #tpu.memory_space<vmem>>
      %dma_wait3A_157 = tpu.memref_squeeze %dma_wait3A_156 : memref<1x80x80xf32, #tpu.memory_space<vmem>> -> memref<80x80xf32, #tpu.memory_space<vmem>>
      tpu.wait_dma2 semaphore(%run_scoped3A_133 : memref<!tpu.dma_semaphore, #tpu.memory_space<semaphore_mem>>) src(%dma_wait3A_157 : memref<80x80xf32, #tpu.memory_space<vmem>>) dst(%dma_wait3A_153 : memref<80x80xf32, #tpu.memory_space<vmem_shared>>)
      tpu.yield
    }) : () -> ()
    %add3A_14 = arith.constant 160 : i32
    %add3A_15 = arith.addi %mul3A_8, %add3A_14 : i32
    %run_scoped3A_16 = arith.constant 0 : i32
    "tpu.region"() ({
      %run_scoped3A_133 = tpu.sem_alloc : memref<!tpu.dma_semaphore, #tpu.memory_space<semaphore_mem>>
      %dma_start3A_134 = arith.constant 0 : i32
      %dma_start3A_135 = arith.constant 0 : i32
      %dma_start3A_136 = tpu.memref_slice %arg8[%run_scoped3A_16, %dma_start3A_134, %dma_start3A_135] : memref<8x80x80xf32, #tpu.memory_space<vmem>> -> memref<1x80x80xf32, #tpu.memory_space<vmem>>
      %dma_start3A_137 = tpu.memref_squeeze %dma_start3A_136 : memref<1x80x80xf32, #tpu.memory_space<vmem>> -> memref<80x80xf32, #tpu.memory_space<vmem>>
      %dma_start3A_138 = arith.constant 0 : i32
      %dma_start3A_139 = tpu.memref_slice %arg9[%add3A_15, %dma_start3A_138] : memref<10240x80xf32, #tpu.memory_space<vmem_shared>> -> memref<80x80xf32, #tpu.memory_space<vmem_shared>>
      %dma_start3A_140 = arith.constant 0 : i32
      %dma_start3A_141 = tpu.memref_slice %arg9[%add3A_15, %dma_start3A_140] : memref<10240x80xf32, #tpu.memory_space<vmem_shared>> -> memref<80x80xf32, #tpu.memory_space<vmem_shared>>
      %dma_start3A_142 = arith.constant 0 : i32
      %dma_start3A_143 = arith.constant 0 : i32
      %dma_start3A_144 = tpu.memref_slice %arg8[%run_scoped3A_16, %dma_start3A_142, %dma_start3A_143] : memref<8x80x80xf32, #tpu.memory_space<vmem>> -> memref<1x80x80xf32, #tpu.memory_space<vmem>>
      %dma_start3A_145 = tpu.memref_squeeze %dma_start3A_144 : memref<1x80x80xf32, #tpu.memory_space<vmem>> -> memref<80x80xf32, #tpu.memory_space<vmem>>
      tpu.enqueue_dma source(%dma_start3A_145 : memref<80x80xf32, #tpu.memory_space<vmem>>) target(%dma_start3A_141 : memref<80x80xf32, #tpu.memory_space<vmem_shared>>) target_semaphore(%run_scoped3A_133 : memref<!tpu.dma_semaphore, #tpu.memory_space<semaphore_mem>>)
      %dma_wait3A_146 = arith.constant 0 : i32
      %dma_wait3A_147 = arith.constant 0 : i32
      %dma_wait3A_148 = tpu.memref_slice %arg8[%run_scoped3A_16, %dma_wait3A_146, %dma_wait3A_147] : memref<8x80x80xf32, #tpu.memory_space<vmem>> -> memref<1x80x80xf32, #tpu.memory_space<vmem>>
      %dma_wait3A_149 = tpu.memref_squeeze %dma_wait3A_148 : memref<1x80x80xf32, #tpu.memory_space<vmem>> -> memref<80x80xf32, #tpu.memory_space<vmem>>
      %dma_wait3A_150 = arith.constant 0 : i32
      %dma_wait3A_151 = tpu.memref_slice %arg9[%add3A_15, %dma_wait3A_150] : memref<10240x80xf32, #tpu.memory_space<vmem_shared>> -> memref<80x80xf32, #tpu.memory_space<vmem_shared>>
      %dma_wait3A_152 = arith.constant 0 : i32
      %dma_wait3A_153 = tpu.memref_slice %arg9[%add3A_15, %dma_wait3A_152] : memref<10240x80xf32, #tpu.memory_space<vmem_shared>> -> memref<80x80xf32, #tpu.memory_space<vmem_shared>>
      %dma_wait3A_154 = arith.constant 0 : i32
      %dma_wait3A_155 = arith.constant 0 : i32
      %dma_wait3A_156 = tpu.memref_slice %arg8[%run_scoped3A_16, %dma_wait3A_154, %dma_wait3A_155] : memref<8x80x80xf32, #tpu.memory_space<vmem>> -> memref<1x80x80xf32, #tpu.memory_space<vmem>>
      %dma_wait3A_157 = tpu.memref_squeeze %dma_wait3A_156 : memref<1x80x80xf32, #tpu.memory_space<vmem>> -> memref<80x80xf32, #tpu.memory_space<vmem>>
      tpu.wait_dma2 semaphore(%run_scoped3A_133 : memref<!tpu.dma_semaphore, #tpu.memory_space<semaphore_mem>>) src(%dma_wait3A_157 : memref<80x80xf32, #tpu.memory_space<vmem>>) dst(%dma_wait3A_153 : memref<80x80xf32, #tpu.memory_space<vmem_shared>>)
      tpu.yield
    }) : () -> ()
    %add3A_17 = arith.constant 240 : i32
    %add3A_18 = arith.addi %mul3A_8, %add3A_17 : i32
    %run_scoped3A_19 = arith.constant 0 : i32
    "tpu.region"() ({
      %run_scoped3A_133 = tpu.sem_alloc : memref<!tpu.dma_semaphore, #tpu.memory_space<semaphore_mem>>
      %dma_start3A_134 = arith.constant 0 : i32
      %dma_start3A_135 = arith.constant 0 : i32
      %dma_start3A_136 = tpu.memref_slice %arg8[%run_scoped3A_19, %dma_start3A_134, %dma_start3A_135] : memref<8x80x80xf32, #tpu.memory_space<vmem>> -> memref<1x80x80xf32, #tpu.memory_space<vmem>>
      %dma_start3A_137 = tpu.memref_squeeze %dma_start3A_136 : memref<1x80x80xf32, #tpu.memory_space<vmem>> -> memref<80x80xf32, #tpu.memory_space<vmem>>
      %dma_start3A_138 = arith.constant 0 : i32
      %dma_start3A_139 = tpu.memref_slice %arg9[%add3A_18, %dma_start3A_138] : memref<10240x80xf32, #tpu.memory_space<vmem_shared>> -> memref<80x80xf32, #tpu.memory_space<vmem_shared>>
      %dma_start3A_140 = arith.constant 0 : i32
      %dma_start3A_141 = tpu.memref_slice %arg9[%add3A_18, %dma_start3A_140] : memref<10240x80xf32, #tpu.memory_space<vmem_shared>> -> memref<80x80xf32, #tpu.memory_space<vmem_shared>>
      %dma_start3A_142 = arith.constant 0 : i32
      %dma_start3A_143 = arith.constant 0 : i32
      %dma_start3A_144 = tpu.memref_slice %arg8[%run_scoped3A_19, %dma_start3A_142, %dma_start3A_143] : memref<8x80x80xf32, #tpu.memory_space<vmem>> -> memref<1x80x80xf32, #tpu.memory_space<vmem>>
      %dma_start3A_145 = tpu.memref_squeeze %dma_start3A_144 : memref<1x80x80xf32, #tpu.memory_space<vmem>> -> memref<80x80xf32, #tpu.memory_space<vmem>>
      tpu.enqueue_dma source(%dma_start3A_145 : memref<80x80xf32, #tpu.memory_space<vmem>>) target(%dma_start3A_141 : memref<80x80xf32, #tpu.memory_space<vmem_shared>>) target_semaphore(%run_scoped3A_133 : memref<!tpu.dma_semaphore, #tpu.memory_space<semaphore_mem>>)
      %dma_wait3A_146 = arith.constant 0 : i32
      %dma_wait3A_147 = arith.constant 0 : i32
      %dma_wait3A_148 = tpu.memref_slice %arg8[%run_scoped3A_19, %dma_wait3A_146, %dma_wait3A_147] : memref<8x80x80xf32, #tpu.memory_space<vmem>> -> memref<1x80x80xf32, #tpu.memory_space<vmem>>
      %dma_wait3A_149 = tpu.memref_squeeze %dma_wait3A_148 : memref<1x80x80xf32, #tpu.memory_space<vmem>> -> memref<80x80xf32, #tpu.memory_space<vmem>>
      %dma_wait3A_150 = arith.constant 0 : i32
      %dma_wait3A_151 = tpu.memref_slice %arg9[%add3A_18, %dma_wait3A_150] : memref<10240x80xf32, #tpu.memory_space<vmem_shared>> -> memref<80x80xf32, #tpu.memory_space<vmem_shared>>
      %dma_wait3A_152 = arith.constant 0 : i32
      %dma_wait3A_153 = tpu.memref_slice %arg9[%add3A_18, %dma_wait3A_152] : memref<10240x80xf32, #tpu.memory_space<vmem_shared>> -> memref<80x80xf32, #tpu.memory_space<vmem_shared>>
      %dma_wait3A_154 = arith.constant 0 : i32
      %dma_wait3A_155 = arith.constant 0 : i32
      %dma_wait3A_156 = tpu.memref_slice %arg8[%run_scoped3A_19, %dma_wait3A_154, %dma_wait3A_155] : memref<8x80x80xf32, #tpu.memory_space<vmem>> -> memref<1x80x80xf32, #tpu.memory_space<vmem>>
      %dma_wait3A_157 = tpu.memref_squeeze %dma_wait3A_156 : memref<1x80x80xf32, #tpu.memory_space<vmem>> -> memref<80x80xf32, #tpu.memory_space<vmem>>
      tpu.wait_dma2 semaphore(%run_scoped3A_133 : memref<!tpu.dma_semaphore, #tpu.memory_space<semaphore_mem>>) src(%dma_wait3A_157 : memref<80x80xf32, #tpu.memory_space<vmem>>) dst(%dma_wait3A_153 : memref<80x80xf32, #tpu.memory_space<vmem_shared>>)
      tpu.yield
    }) : () -> ()
    %add3A_20 = arith.constant 320 : i32
    %add3A_21 = arith.addi %mul3A_8, %add3A_20 : i32
    %run_scoped3A_22 = arith.constant 0 : i32
    "tpu.region"() ({
      %run_scoped3A_133 = tpu.sem_alloc : memref<!tpu.dma_semaphore, #tpu.memory_space<semaphore_mem>>
      %dma_start3A_134 = arith.constant 0 : i32
      %dma_start3A_135 = arith.constant 0 : i32
      %dma_start3A_136 = tpu.memref_slice %arg8[%run_scoped3A_22, %dma_start3A_134, %dma_start3A_135] : memref<8x80x80xf32, #tpu.memory_space<vmem>> -> memref<1x80x80xf32, #tpu.memory_space<vmem>>
      %dma_start3A_137 = tpu.memref_squeeze %dma_start3A_136 : memref<1x80x80xf32, #tpu.memory_space<vmem>> -> memref<80x80xf32, #tpu.memory_space<vmem>>
      %dma_start3A_138 = arith.constant 0 : i32
      %dma_start3A_139 = tpu.memref_slice %arg9[%add3A_21, %dma_start3A_138] : memref<10240x80xf32, #tpu.memory_space<vmem_shared>> -> memref<80x80xf32, #tpu.memory_space<vmem_shared>>
      %dma_start3A_140 = arith.constant 0 : i32
      %dma_start3A_141 = tpu.memref_slice %arg9[%add3A_21, %dma_start3A_140] : memref<10240x80xf32, #tpu.memory_space<vmem_shared>> -> memref<80x80xf32, #tpu.memory_space<vmem_shared>>
      %dma_start3A_142 = arith.constant 0 : i32
      %dma_start3A_143 = arith.constant 0 : i32
      %dma_start3A_144 = tpu.memref_slice %arg8[%run_scoped3A_22, %dma_start3A_142, %dma_start3A_143] : memref<8x80x80xf32, #tpu.memory_space<vmem>> -> memref<1x80x80xf32, #tpu.memory_space<vmem>>
      %dma_start3A_145 = tpu.memref_squeeze %dma_start3A_144 : memref<1x80x80xf32, #tpu.memory_space<vmem>> -> memref<80x80xf32, #tpu.memory_space<vmem>>
      tpu.enqueue_dma source(%dma_start3A_145 : memref<80x80xf32, #tpu.memory_space<vmem>>) target(%dma_start3A_141 : memref<80x80xf32, #tpu.memory_space<vmem_shared>>) target_semaphore(%run_scoped3A_133 : memref<!tpu.dma_semaphore, #tpu.memory_space<semaphore_mem>>)
      %dma_wait3A_146 = arith.constant 0 : i32
      %dma_wait3A_147 = arith.constant 0 : i32
      %dma_wait3A_148 = tpu.memref_slice %arg8[%run_scoped3A_22, %dma_wait3A_146, %dma_wait3A_147] : memref<8x80x80xf32, #tpu.memory_space<vmem>> -> memref<1x80x80xf32, #tpu.memory_space<vmem>>
      %dma_wait3A_149 = tpu.memref_squeeze %dma_wait3A_148 : memref<1x80x80xf32, #tpu.memory_space<vmem>> -> memref<80x80xf32, #tpu.memory_space<vmem>>
      %dma_wait3A_150 = arith.constant 0 : i32
      %dma_wait3A_151 = tpu.memref_slice %arg9[%add3A_21, %dma_wait3A_150] : memref<10240x80xf32, #tpu.memory_space<vmem_shared>> -> memref<80x80xf32, #tpu.memory_space<vmem_shared>>
      %dma_wait3A_152 = arith.constant 0 : i32
      %dma_wait3A_153 = tpu.memref_slice %arg9[%add3A_21, %dma_wait3A_152] : memref<10240x80xf32, #tpu.memory_space<vmem_shared>> -> memref<80x80xf32, #tpu.memory_space<vmem_shared>>
      %dma_wait3A_154 = arith.constant 0 : i32
      %dma_wait3A_155 = arith.constant 0 : i32
      %dma_wait3A_156 = tpu.memref_slice %arg8[%run_scoped3A_22, %dma_wait3A_154, %dma_wait3A_155] : memref<8x80x80xf32, #tpu.memory_space<vmem>> -> memref<1x80x80xf32, #tpu.memory_space<vmem>>
      %dma_wait3A_157 = tpu.memref_squeeze %dma_wait3A_156 : memref<1x80x80xf32, #tpu.memory_space<vmem>> -> memref<80x80xf32, #tpu.memory_space<vmem>>
      tpu.wait_dma2 semaphore(%run_scoped3A_133 : memref<!tpu.dma_semaphore, #tpu.memory_space<semaphore_mem>>) src(%dma_wait3A_157 : memref<80x80xf32, #tpu.memory_space<vmem>>) dst(%dma_wait3A_153 : memref<80x80xf32, #tpu.memory_space<vmem_shared>>)
      tpu.yield
    }) : () -> ()
    %add3A_23 = arith.constant 400 : i32
    %add3A_24 = arith.addi %mul3A_8, %add3A_23 : i32
    %run_scoped3A_25 = arith.constant 0 : i32
    "tpu.region"() ({
      %run_scoped3A_133 = tpu.sem_alloc : memref<!tpu.dma_semaphore, #tpu.memory_space<semaphore_mem>>
      %dma_start3A_134 = arith.constant 0 : i32
      %dma_start3A_135 = arith.constant 0 : i32
      %dma_start3A_136 = tpu.memref_slice %arg8[%run_scoped3A_25, %dma_start3A_134, %dma_start3A_135] : memref<8x80x80xf32, #tpu.memory_space<vmem>> -> memref<1x80x80xf32, #tpu.memory_space<vmem>>
      %dma_start3A_137 = tpu.memref_squeeze %dma_start3A_136 : memref<1x80x80xf32, #tpu.memory_space<vmem>> -> memref<80x80xf32, #tpu.memory_space<vmem>>
      %dma_start3A_138 = arith.constant 0 : i32
      %dma_start3A_139 = tpu.memref_slice %arg9[%add3A_24, %dma_start3A_138] : memref<10240x80xf32, #tpu.memory_space<vmem_shared>> -> memref<80x80xf32, #tpu.memory_space<vmem_shared>>
      %dma_start3A_140 = arith.constant 0 : i32
      %dma_start3A_141 = tpu.memref_slice %arg9[%add3A_24, %dma_start3A_140] : memref<10240x80xf32, #tpu.memory_space<vmem_shared>> -> memref<80x80xf32, #tpu.memory_space<vmem_shared>>
      %dma_start3A_142 = arith.constant 0 : i32
      %dma_start3A_143 = arith.constant 0 : i32
      %dma_start3A_144 = tpu.memref_slice %arg8[%run_scoped3A_25, %dma_start3A_142, %dma_start3A_143] : memref<8x80x80xf32, #tpu.memory_space<vmem>> -> memref<1x80x80xf32, #tpu.memory_space<vmem>>
      %dma_start3A_145 = tpu.memref_squeeze %dma_start3A_144 : memref<1x80x80xf32, #tpu.memory_space<vmem>> -> memref<80x80xf32, #tpu.memory_space<vmem>>
      tpu.enqueue_dma source(%dma_start3A_145 : memref<80x80xf32, #tpu.memory_space<vmem>>) target(%dma_start3A_141 : memref<80x80xf32, #tpu.memory_space<vmem_shared>>) target_semaphore(%run_scoped3A_133 : memref<!tpu.dma_semaphore, #tpu.memory_space<semaphore_mem>>)
      %dma_wait3A_146 = arith.constant 0 : i32
      %dma_wait3A_147 = arith.constant 0 : i32
      %dma_wait3A_148 = tpu.memref_slice %arg8[%run_scoped3A_25, %dma_wait3A_146, %dma_wait3A_147] : memref<8x80x80xf32, #tpu.memory_space<vmem>> -> memref<1x80x80xf32, #tpu.memory_space<vmem>>
      %dma_wait3A_149 = tpu.memref_squeeze %dma_wait3A_148 : memref<1x80x80xf32, #tpu.memory_space<vmem>> -> memref<80x80xf32, #tpu.memory_space<vmem>>
      %dma_wait3A_150 = arith.constant 0 : i32
      %dma_wait3A_151 = tpu.memref_slice %arg9[%add3A_24, %dma_wait3A_150] : memref<10240x80xf32, #tpu.memory_space<vmem_shared>> -> memref<80x80xf32, #tpu.memory_space<vmem_shared>>
      %dma_wait3A_152 = arith.constant 0 : i32
      %dma_wait3A_153 = tpu.memref_slice %arg9[%add3A_24, %dma_wait3A_152] : memref<10240x80xf32, #tpu.memory_space<vmem_shared>> -> memref<80x80xf32, #tpu.memory_space<vmem_shared>>
      %dma_wait3A_154 = arith.constant 0 : i32
      %dma_wait3A_155 = arith.constant 0 : i32
      %dma_wait3A_156 = tpu.memref_slice %arg8[%run_scoped3A_25, %dma_wait3A_154, %dma_wait3A_155] : memref<8x80x80xf32, #tpu.memory_space<vmem>> -> memref<1x80x80xf32, #tpu.memory_space<vmem>>
      %dma_wait3A_157 = tpu.memref_squeeze %dma_wait3A_156 : memref<1x80x80xf32, #tpu.memory_space<vmem>> -> memref<80x80xf32, #tpu.memory_space<vmem>>
      tpu.wait_dma2 semaphore(%run_scoped3A_133 : memref<!tpu.dma_semaphore, #tpu.memory_space<semaphore_mem>>) src(%dma_wait3A_157 : memref<80x80xf32, #tpu.memory_space<vmem>>) dst(%dma_wait3A_153 : memref<80x80xf32, #tpu.memory_space<vmem_shared>>)
      tpu.yield
    }) : () -> ()
    %add3A_26 = arith.constant 480 : i32
    %add3A_27 = arith.addi %mul3A_8, %add3A_26 : i32
    %run_scoped3A_28 = arith.constant 0 : i32
    "tpu.region"() ({
      %run_scoped3A_133 = tpu.sem_alloc : memref<!tpu.dma_semaphore, #tpu.memory_space<semaphore_mem>>
      %dma_start3A_134 = arith.constant 0 : i32
      %dma_start3A_135 = arith.constant 0 : i32
      %dma_start3A_136 = tpu.memref_slice %arg8[%run_scoped3A_28, %dma_start3A_134, %dma_start3A_135] : memref<8x80x80xf32, #tpu.memory_space<vmem>> -> memref<1x80x80xf32, #tpu.memory_space<vmem>>
      %dma_start3A_137 = tpu.memref_squeeze %dma_start3A_136 : memref<1x80x80xf32, #tpu.memory_space<vmem>> -> memref<80x80xf32, #tpu.memory_space<vmem>>
      %dma_start3A_138 = arith.constant 0 : i32
      %dma_start3A_139 = tpu.memref_slice %arg9[%add3A_27, %dma_start3A_138] : memref<10240x80xf32, #tpu.memory_space<vmem_shared>> -> memref<80x80xf32, #tpu.memory_space<vmem_shared>>
      %dma_start3A_140 = arith.constant 0 : i32
      %dma_start3A_141 = tpu.memref_slice %arg9[%add3A_27, %dma_start3A_140] : memref<10240x80xf32, #tpu.memory_space<vmem_shared>> -> memref<80x80xf32, #tpu.memory_space<vmem_shared>>
      %dma_start3A_142 = arith.constant 0 : i32
      %dma_start3A_143 = arith.constant 0 : i32
      %dma_start3A_144 = tpu.memref_slice %arg8[%run_scoped3A_28, %dma_start3A_142, %dma_start3A_143] : memref<8x80x80xf32, #tpu.memory_space<vmem>> -> memref<1x80x80xf32, #tpu.memory_space<vmem>>
      %dma_start3A_145 = tpu.memref_squeeze %dma_start3A_144 : memref<1x80x80xf32, #tpu.memory_space<vmem>> -> memref<80x80xf32, #tpu.memory_space<vmem>>
      tpu.enqueue_dma source(%dma_start3A_145 : memref<80x80xf32, #tpu.memory_space<vmem>>) target(%dma_start3A_141 : memref<80x80xf32, #tpu.memory_space<vmem_shared>>) target_semaphore(%run_scoped3A_133 : memref<!tpu.dma_semaphore, #tpu.memory_space<semaphore_mem>>)
      %dma_wait3A_146 = arith.constant 0 : i32
      %dma_wait3A_147 = arith.constant 0 : i32
      %dma_wait3A_148 = tpu.memref_slice %arg8[%run_scoped3A_28, %dma_wait3A_146, %dma_wait3A_147] : memref<8x80x80xf32, #tpu.memory_space<vmem>> -> memref<1x80x80xf32, #tpu.memory_space<vmem>>
      %dma_wait3A_149 = tpu.memref_squeeze %dma_wait3A_148 : memref<1x80x80xf32, #tpu.memory_space<vmem>> -> memref<80x80xf32, #tpu.memory_space<vmem>>
      %dma_wait3A_150 = arith.constant 0 : i32
      %dma_wait3A_151 = tpu.memref_slice %arg9[%add3A_27, %dma_wait3A_150] : memref<10240x80xf32, #tpu.memory_space<vmem_shared>> -> memref<80x80xf32, #tpu.memory_space<vmem_shared>>
      %dma_wait3A_152 = arith.constant 0 : i32
      %dma_wait3A_153 = tpu.memref_slice %arg9[%add3A_27, %dma_wait3A_152] : memref<10240x80xf32, #tpu.memory_space<vmem_shared>> -> memref<80x80xf32, #tpu.memory_space<vmem_shared>>
      %dma_wait3A_154 = arith.constant 0 : i32
      %dma_wait3A_155 = arith.constant 0 : i32
      %dma_wait3A_156 = tpu.memref_slice %arg8[%run_scoped3A_28, %dma_wait3A_154, %dma_wait3A_155] : memref<8x80x80xf32, #tpu.memory_space<vmem>> -> memref<1x80x80xf32, #tpu.memory_space<vmem>>
      %dma_wait3A_157 = tpu.memref_squeeze %dma_wait3A_156 : memref<1x80x80xf32, #tpu.memory_space<vmem>> -> memref<80x80xf32, #tpu.memory_space<vmem>>
      tpu.wait_dma2 semaphore(%run_scoped3A_133 : memref<!tpu.dma_semaphore, #tpu.memory_space<semaphore_mem>>) src(%dma_wait3A_157 : memref<80x80xf32, #tpu.memory_space<vmem>>) dst(%dma_wait3A_153 : memref<80x80xf32, #tpu.memory_space<vmem_shared>>)
      tpu.yield
    }) : () -> ()
    %add3A_29 = arith.constant 560 : i32
    %add3A_30 = arith.addi %mul3A_8, %add3A_29 : i32
    %run_scoped3A_31 = arith.constant 0 : i32
    "tpu.region"() ({
      %run_scoped3A_133 = tpu.sem_alloc : memref<!tpu.dma_semaphore, #tpu.memory_space<semaphore_mem>>
      %dma_start3A_134 = arith.constant 0 : i32
      %dma_start3A_135 = arith.constant 0 : i32
      %dma_start3A_136 = tpu.memref_slice %arg8[%run_scoped3A_31, %dma_start3A_134, %dma_start3A_135] : memref<8x80x80xf32, #tpu.memory_space<vmem>> -> memref<1x80x80xf32, #tpu.memory_space<vmem>>
      %dma_start3A_137 = tpu.memref_squeeze %dma_start3A_136 : memref<1x80x80xf32, #tpu.memory_space<vmem>> -> memref<80x80xf32, #tpu.memory_space<vmem>>
      %dma_start3A_138 = arith.constant 0 : i32
      %dma_start3A_139 = tpu.memref_slice %arg9[%add3A_30, %dma_start3A_138] : memref<10240x80xf32, #tpu.memory_space<vmem_shared>> -> memref<80x80xf32, #tpu.memory_space<vmem_shared>>
      %dma_start3A_140 = arith.constant 0 : i32
      %dma_start3A_141 = tpu.memref_slice %arg9[%add3A_30, %dma_start3A_140] : memref<10240x80xf32, #tpu.memory_space<vmem_shared>> -> memref<80x80xf32, #tpu.memory_space<vmem_shared>>
      %dma_start3A_142 = arith.constant 0 : i32
      %dma_start3A_143 = arith.constant 0 : i32
      %dma_start3A_144 = tpu.memref_slice %arg8[%run_scoped3A_31, %dma_start3A_142, %dma_start3A_143] : memref<8x80x80xf32, #tpu.memory_space<vmem>> -> memref<1x80x80xf32, #tpu.memory_space<vmem>>
      %dma_start3A_145 = tpu.memref_squeeze %dma_start3A_144 : memref<1x80x80xf32, #tpu.memory_space<vmem>> -> memref<80x80xf32, #tpu.memory_space<vmem>>
      tpu.enqueue_dma source(%dma_start3A_145 : memref<80x80xf32, #tpu.memory_space<vmem>>) target(%dma_start3A_141 : memref<80x80xf32, #tpu.memory_space<vmem_shared>>) target_semaphore(%run_scoped3A_133 : memref<!tpu.dma_semaphore, #tpu.memory_space<semaphore_mem>>)
      %dma_wait3A_146 = arith.constant 0 : i32
      %dma_wait3A_147 = arith.constant 0 : i32
      %dma_wait3A_148 = tpu.memref_slice %arg8[%run_scoped3A_31, %dma_wait3A_146, %dma_wait3A_147] : memref<8x80x80xf32, #tpu.memory_space<vmem>> -> memref<1x80x80xf32, #tpu.memory_space<vmem>>
      %dma_wait3A_149 = tpu.memref_squeeze %dma_wait3A_148 : memref<1x80x80xf32, #tpu.memory_space<vmem>> -> memref<80x80xf32, #tpu.memory_space<vmem>>
      %dma_wait3A_150 = arith.constant 0 : i32
      %dma_wait3A_151 = tpu.memref_slice %arg9[%add3A_30, %dma_wait3A_150] : memref<10240x80xf32, #tpu.memory_space<vmem_shared>> -> memref<80x80xf32, #tpu.memory_space<vmem_shared>>
      %dma_wait3A_152 = arith.constant 0 : i32
      %dma_wait3A_153 = tpu.memref_slice %arg9[%add3A_30, %dma_wait3A_152] : memref<10240x80xf32, #tpu.memory_space<vmem_shared>> -> memref<80x80xf32, #tpu.memory_space<vmem_shared>>
      %dma_wait3A_154 = arith.constant 0 : i32
      %dma_wait3A_155 = arith.constant 0 : i32
      %dma_wait3A_156 = tpu.memref_slice %arg8[%run_scoped3A_31, %dma_wait3A_154, %dma_wait3A_155] : memref<8x80x80xf32, #tpu.memory_space<vmem>> -> memref<1x80x80xf32, #tpu.memory_space<vmem>>
      %dma_wait3A_157 = tpu.memref_squeeze %dma_wait3A_156 : memref<1x80x80xf32, #tpu.memory_space<vmem>> -> memref<80x80xf32, #tpu.memory_space<vmem>>
      tpu.wait_dma2 semaphore(%run_scoped3A_133 : memref<!tpu.dma_semaphore, #tpu.memory_space<semaphore_mem>>) src(%dma_wait3A_157 : memref<80x80xf32, #tpu.memory_space<vmem>>) dst(%dma_wait3A_153 : memref<80x80xf32, #tpu.memory_space<vmem_shared>>)
      tpu.yield
    }) : () -> ()
    %barrier3A = arith.constant 0 : index
    tpu.barrier barrier_id(%barrier3A)
    "tpu.region"() ({
      %run_scoped3A_133 = tpu.sem_alloc : memref<!tpu.dma_semaphore, #tpu.memory_space<semaphore_mem>>
      %dma_start3A_134 = arith.constant 0 : i32
      %dma_start3A_135 = arith.constant 0 : i32
      %dma_start3A_136 = tpu.memref_slice %arg3[%add3A, %dma_start3A_134, %dma_start3A_135] : memref<32x125x80xi32, #tpu.memory_space<hbm>> -> memref<1x125x80xi32, #tpu.memory_space<hbm>>
      %dma_start3A_137 = tpu.memref_squeeze %dma_start3A_136 : memref<1x125x80xi32, #tpu.memory_space<hbm>> -> memref<125x80xi32, #tpu.memory_space<hbm>>
      %dma_start3A_138 = arith.constant 0 : i32
      %dma_start3A_139 = arith.constant 0 : i32
      %dma_start3A_140 = tpu.memref_slice %arg3[%add3A, %dma_start3A_138, %dma_start3A_139] : memref<32x125x80xi32, #tpu.memory_space<hbm>> -> memref<1x125x80xi32, #tpu.memory_space<hbm>>
      %dma_start3A_141 = tpu.memref_squeeze %dma_start3A_140 : memref<1x125x80xi32, #tpu.memory_space<hbm>> -> memref<125x80xi32, #tpu.memory_space<hbm>>
      tpu.enqueue_dma source(%dma_start3A_141 : memref<125x80xi32, #tpu.memory_space<hbm>>) target(%arg6 : memref<125x80xi32, #tpu.memory_space<vmem>>) target_semaphore(%run_scoped3A_133 : memref<!tpu.dma_semaphore, #tpu.memory_space<semaphore_mem>>)
      %dma_wait3A_142 = arith.constant 0 : i32
      %dma_wait3A_143 = arith.constant 0 : i32
      %dma_wait3A_144 = tpu.memref_slice %arg3[%add3A, %dma_wait3A_142, %dma_wait3A_143] : memref<32x125x80xi32, #tpu.memory_space<hbm>> -> memref<1x125x80xi32, #tpu.memory_space<hbm>>
      %dma_wait3A_145 = tpu.memref_squeeze %dma_wait3A_144 : memref<1x125x80xi32, #tpu.memory_space<hbm>> -> memref<125x80xi32, #tpu.memory_space<hbm>>
      %dma_wait3A_146 = arith.constant 0 : i32
      %dma_wait3A_147 = arith.constant 0 : i32
      %dma_wait3A_148 = tpu.memref_slice %arg3[%add3A, %dma_wait3A_146, %dma_wait3A_147] : memref<32x125x80xi32, #tpu.memory_space<hbm>> -> memref<1x125x80xi32, #tpu.memory_space<hbm>>
      %dma_wait3A_149 = tpu.memref_squeeze %dma_wait3A_148 : memref<1x125x80xi32, #tpu.memory_space<hbm>> -> memref<125x80xi32, #tpu.memory_space<hbm>>
      tpu.wait_dma2 semaphore(%run_scoped3A_133 : memref<!tpu.dma_semaphore, #tpu.memory_space<semaphore_mem>>) src(%dma_wait3A_149 : memref<125x80xi32, #tpu.memory_space<hbm>>) dst(%arg6 : memref<125x80xi32, #tpu.memory_space<vmem>>)
      tpu.yield
    }) : () -> ()
    "tpu.region"() ({
      %run_scoped3A_133 = tpu.sem_alloc : memref<!tpu.dma_semaphore, #tpu.memory_space<semaphore_mem>>
      %dma_start3A_134 = arith.constant 0 : i32
      %dma_start3A_135 = arith.constant 0 : i32
      %dma_start3A_136 = tpu.memref_slice %arg4[%add3A, %dma_start3A_134, %dma_start3A_135] : memref<32x125x80xi32, #tpu.memory_space<hbm>> -> memref<1x125x80xi32, #tpu.memory_space<hbm>>
      %dma_start3A_137 = tpu.memref_squeeze %dma_start3A_136 : memref<1x125x80xi32, #tpu.memory_space<hbm>> -> memref<125x80xi32, #tpu.memory_space<hbm>>
      %dma_start3A_138 = arith.constant 0 : i32
      %dma_start3A_139 = arith.constant 0 : i32
      %dma_start3A_140 = tpu.memref_slice %arg4[%add3A, %dma_start3A_138, %dma_start3A_139] : memref<32x125x80xi32, #tpu.memory_space<hbm>> -> memref<1x125x80xi32, #tpu.memory_space<hbm>>
      %dma_start3A_141 = tpu.memref_squeeze %dma_start3A_140 : memref<1x125x80xi32, #tpu.memory_space<hbm>> -> memref<125x80xi32, #tpu.memory_space<hbm>>
      tpu.enqueue_dma source(%dma_start3A_141 : memref<125x80xi32, #tpu.memory_space<hbm>>) target(%arg7 : memref<125x80xi32, #tpu.memory_space<vmem>>) target_semaphore(%run_scoped3A_133 : memref<!tpu.dma_semaphore, #tpu.memory_space<semaphore_mem>>)
      %dma_wait3A_142 = arith.constant 0 : i32
      %dma_wait3A_143 = arith.constant 0 : i32
      %dma_wait3A_144 = tpu.memref_slice %arg4[%add3A, %dma_wait3A_142, %dma_wait3A_143] : memref<32x125x80xi32, #tpu.memory_space<hbm>> -> memref<1x125x80xi32, #tpu.memory_space<hbm>>
      %dma_wait3A_145 = tpu.memref_squeeze %dma_wait3A_144 : memref<1x125x80xi32, #tpu.memory_space<hbm>> -> memref<125x80xi32, #tpu.memory_space<hbm>>
      %dma_wait3A_146 = arith.constant 0 : i32
      %dma_wait3A_147 = arith.constant 0 : i32
      %dma_wait3A_148 = tpu.memref_slice %arg4[%add3A, %dma_wait3A_146, %dma_wait3A_147] : memref<32x125x80xi32, #tpu.memory_space<hbm>> -> memref<1x125x80xi32, #tpu.memory_space<hbm>>
      %dma_wait3A_149 = tpu.memref_squeeze %dma_wait3A_148 : memref<1x125x80xi32, #tpu.memory_space<hbm>> -> memref<125x80xi32, #tpu.memory_space<hbm>>
      tpu.wait_dma2 semaphore(%run_scoped3A_133 : memref<!tpu.dma_semaphore, #tpu.memory_space<semaphore_mem>>) src(%dma_wait3A_149 : memref<125x80xi32, #tpu.memory_space<hbm>>) dst(%arg7 : memref<125x80xi32, #tpu.memory_space<vmem>>)
      tpu.yield
    }) : () -> ()
    %dma_start3A = arith.constant 0 : i32
    %dma_start3A_32 = arith.constant 0 : i32
    %dma_start3A_33 = arith.constant 0 : i32
    %dma_start3A_34 = arith.constant 0 : i32
    %dma_start3A_35 = tpu.memref_slice %arg8[%dma_start3A_32, %dma_start3A_33, %dma_start3A_34] : memref<8x80x80xf32, #tpu.memory_space<vmem>> -> memref<1x80x80xf32, #tpu.memory_space<vmem>>
    %dma_start3A_36 = tpu.memref_squeeze %dma_start3A_35 : memref<1x80x80xf32, #tpu.memory_space<vmem>> -> memref<80x80xf32, #tpu.memory_space<vmem>>
    %dma_start3A_37 = arith.constant 0 : i32
    %dma_start3A_38 = tpu.memref_slice %arg6[%dma_start3A, %dma_start3A_37] : memref<125x80xi32, #tpu.memory_space<vmem>> -> memref<1x80xi32, #tpu.memory_space<vmem>>
    %dma_start3A_39 = tpu.memref_squeeze %dma_start3A_38 : memref<1x80xi32, #tpu.memory_space<vmem>> -> memref<80xi32, #tpu.memory_space<vmem>>
    %dma_start3A_40 = arith.constant 0 : i32
    %dma_start3A_41 = arith.constant 0 : i32
    %dma_start3A_42 = tpu.memref_slice %arg2[%dma_start3A_40, %dma_start3A_41] : memref<10000x80xf32, #tpu.memory_space<hbm>> -> memref<10000x80xf32, #tpu.memory_space<hbm>>
    tpu.enqueue_indirect_dma source(%dma_start3A_42 : memref<10000x80xf32, #tpu.memory_space<hbm>>) target(%dma_start3A_36 : memref<80x80xf32, #tpu.memory_space<vmem>>) offsets(%dma_start3A_39 : memref<80xi32, #tpu.memory_space<vmem>>) semaphore(%arg10 : memref<!tpu.dma_semaphore, #tpu.memory_space<semaphore_mem>>)
    %dma_start3A_43 = arith.constant 1 : i32
    %dma_start3A_44 = arith.constant 1 : i32
    %dma_start3A_45 = arith.constant 0 : i32
    %dma_start3A_46 = arith.constant 0 : i32
    %dma_start3A_47 = tpu.memref_slice %arg8[%dma_start3A_44, %dma_start3A_45, %dma_start3A_46] : memref<8x80x80xf32, #tpu.memory_space<vmem>> -> memref<1x80x80xf32, #tpu.memory_space<vmem>>
    %dma_start3A_48 = tpu.memref_squeeze %dma_start3A_47 : memref<1x80x80xf32, #tpu.memory_space<vmem>> -> memref<80x80xf32, #tpu.memory_space<vmem>>
    %dma_start3A_49 = arith.constant 0 : i32
    %dma_start3A_50 = tpu.memref_slice %arg6[%dma_start3A_43, %dma_start3A_49] : memref<125x80xi32, #tpu.memory_space<vmem>> -> memref<1x80xi32, #tpu.memory_space<vmem>>
    %dma_start3A_51 = tpu.memref_squeeze %dma_start3A_50 : memref<1x80xi32, #tpu.memory_space<vmem>> -> memref<80xi32, #tpu.memory_space<vmem>>
    %dma_start3A_52 = arith.constant 0 : i32
    %dma_start3A_53 = arith.constant 0 : i32
    %dma_start3A_54 = tpu.memref_slice %arg2[%dma_start3A_52, %dma_start3A_53] : memref<10000x80xf32, #tpu.memory_space<hbm>> -> memref<10000x80xf32, #tpu.memory_space<hbm>>
    tpu.enqueue_indirect_dma source(%dma_start3A_54 : memref<10000x80xf32, #tpu.memory_space<hbm>>) target(%dma_start3A_48 : memref<80x80xf32, #tpu.memory_space<vmem>>) offsets(%dma_start3A_51 : memref<80xi32, #tpu.memory_space<vmem>>) semaphore(%arg10 : memref<!tpu.dma_semaphore, #tpu.memory_space<semaphore_mem>>)
    %dma_start3A_55 = arith.constant 2 : i32
    %dma_start3A_56 = arith.constant 2 : i32
    %dma_start3A_57 = arith.constant 0 : i32
    %dma_start3A_58 = arith.constant 0 : i32
    %dma_start3A_59 = tpu.memref_slice %arg8[%dma_start3A_56, %dma_start3A_57, %dma_start3A_58] : memref<8x80x80xf32, #tpu.memory_space<vmem>> -> memref<1x80x80xf32, #tpu.memory_space<vmem>>
    %dma_start3A_60 = tpu.memref_squeeze %dma_start3A_59 : memref<1x80x80xf32, #tpu.memory_space<vmem>> -> memref<80x80xf32, #tpu.memory_space<vmem>>
    %dma_start3A_61 = arith.constant 0 : i32
    %dma_start3A_62 = tpu.memref_slice %arg6[%dma_start3A_55, %dma_start3A_61] : memref<125x80xi32, #tpu.memory_space<vmem>> -> memref<1x80xi32, #tpu.memory_space<vmem>>
    %dma_start3A_63 = tpu.memref_squeeze %dma_start3A_62 : memref<1x80xi32, #tpu.memory_space<vmem>> -> memref<80xi32, #tpu.memory_space<vmem>>
    %dma_start3A_64 = arith.constant 0 : i32
    %dma_start3A_65 = arith.constant 0 : i32
    %dma_start3A_66 = tpu.memref_slice %arg2[%dma_start3A_64, %dma_start3A_65] : memref<10000x80xf32, #tpu.memory_space<hbm>> -> memref<10000x80xf32, #tpu.memory_space<hbm>>
    tpu.enqueue_indirect_dma source(%dma_start3A_66 : memref<10000x80xf32, #tpu.memory_space<hbm>>) target(%dma_start3A_60 : memref<80x80xf32, #tpu.memory_space<vmem>>) offsets(%dma_start3A_63 : memref<80xi32, #tpu.memory_space<vmem>>) semaphore(%arg10 : memref<!tpu.dma_semaphore, #tpu.memory_space<semaphore_mem>>)
    %dma_start3A_67 = arith.constant 3 : i32
    %dma_start3A_68 = arith.constant 3 : i32
    %dma_start3A_69 = arith.constant 0 : i32
    %dma_start3A_70 = arith.constant 0 : i32
    %dma_start3A_71 = tpu.memref_slice %arg8[%dma_start3A_68, %dma_start3A_69, %dma_start3A_70] : memref<8x80x80xf32, #tpu.memory_space<vmem>> -> memref<1x80x80xf32, #tpu.memory_space<vmem>>
    %dma_start3A_72 = tpu.memref_squeeze %dma_start3A_71 : memref<1x80x80xf32, #tpu.memory_space<vmem>> -> memref<80x80xf32, #tpu.memory_space<vmem>>
    %dma_start3A_73 = arith.constant 0 : i32
    %dma_start3A_74 = tpu.memref_slice %arg6[%dma_start3A_67, %dma_start3A_73] : memref<125x80xi32, #tpu.memory_space<vmem>> -> memref<1x80xi32, #tpu.memory_space<vmem>>
    %dma_start3A_75 = tpu.memref_squeeze %dma_start3A_74 : memref<1x80xi32, #tpu.memory_space<vmem>> -> memref<80xi32, #tpu.memory_space<vmem>>
    %dma_start3A_76 = arith.constant 0 : i32
    %dma_start3A_77 = arith.constant 0 : i32
    %dma_start3A_78 = tpu.memref_slice %arg2[%dma_start3A_76, %dma_start3A_77] : memref<10000x80xf32, #tpu.memory_space<hbm>> -> memref<10000x80xf32, #tpu.memory_space<hbm>>
    tpu.enqueue_indirect_dma source(%dma_start3A_78 : memref<10000x80xf32, #tpu.memory_space<hbm>>) target(%dma_start3A_72 : memref<80x80xf32, #tpu.memory_space<vmem>>) offsets(%dma_start3A_75 : memref<80xi32, #tpu.memory_space<vmem>>) semaphore(%arg10 : memref<!tpu.dma_semaphore, #tpu.memory_space<semaphore_mem>>)
    %scan3A_79 = arith.constant 0 : i32
    %scan3A_80 = arith.constant 0 : i32
    %scan3A_81 = arith.constant 125 : i32
    %scan3A_82 = arith.addi %scan3A_80, %scan3A_81 : i32
    %scan3A_83 = arith.constant 1 : i32
    scf.for %scan3A_133 = %scan3A_80 to %scan3A_82 step %scan3A_83  : i32 {
      %rem3A = arith.constant 8 : i32
      %rem3A_134 = arith.remsi %scan3A_133, %rem3A : i32
      %dma_wait3A_135 = arith.constant 0 : i32
      %dma_wait3A_136 = arith.constant 0 : i32
      %dma_wait3A_137 = tpu.memref_slice %arg8[%rem3A_134, %dma_wait3A_135, %dma_wait3A_136] : memref<8x80x80xf32, #tpu.memory_space<vmem>> -> memref<1x80x80xf32, #tpu.memory_space<vmem>>
      %dma_wait3A_138 = tpu.memref_squeeze %dma_wait3A_137 : memref<1x80x80xf32, #tpu.memory_space<vmem>> -> memref<80x80xf32, #tpu.memory_space<vmem>>
      %dma_wait3A_139 = arith.constant 0 : i32
      %dma_wait3A_140 = tpu.memref_slice %arg6[%scan3A_133, %dma_wait3A_139] : memref<125x80xi32, #tpu.memory_space<vmem>> -> memref<1x80xi32, #tpu.memory_space<vmem>>
      %dma_wait3A_141 = tpu.memref_squeeze %dma_wait3A_140 : memref<1x80xi32, #tpu.memory_space<vmem>> -> memref<80xi32, #tpu.memory_space<vmem>>
      %dma_wait3A_142 = arith.constant 0 : i32
      %dma_wait3A_143 = arith.constant 0 : i32
      %dma_wait3A_144 = tpu.memref_slice %arg2[%dma_wait3A_142, %dma_wait3A_143] : memref<10000x80xf32, #tpu.memory_space<hbm>> -> memref<10000x80xf32, #tpu.memory_space<hbm>>
      tpu.wait_indirect_dma semaphore(%arg10 : memref<!tpu.dma_semaphore, #tpu.memory_space<semaphore_mem>>) src(%dma_wait3A_144 : memref<10000x80xf32, #tpu.memory_space<hbm>>) dst(%dma_wait3A_138 : memref<80x80xf32, #tpu.memory_space<vmem>>)
      %dma_start3A_145 = arith.constant 0 : i32
      %dma_start3A_146 = arith.constant 0 : i32
      %dma_start3A_147 = tpu.memref_slice %arg8[%rem3A_134, %dma_start3A_145, %dma_start3A_146] : memref<8x80x80xf32, #tpu.memory_space<vmem>> -> memref<1x80x80xf32, #tpu.memory_space<vmem>>
      %dma_start3A_148 = tpu.memref_squeeze %dma_start3A_147 : memref<1x80x80xf32, #tpu.memory_space<vmem>> -> memref<80x80xf32, #tpu.memory_space<vmem>>
      %dma_start3A_149 = arith.constant 0 : i32
      %dma_start3A_150 = tpu.memref_slice %arg7[%scan3A_133, %dma_start3A_149] : memref<125x80xi32, #tpu.memory_space<vmem>> -> memref<1x80xi32, #tpu.memory_space<vmem>>
      %dma_start3A_151 = tpu.memref_squeeze %dma_start3A_150 : memref<1x80xi32, #tpu.memory_space<vmem>> -> memref<80xi32, #tpu.memory_space<vmem>>
      %dma_start3A_152 = arith.constant 0 : i32
      %dma_start3A_153 = arith.constant 0 : i32
      %dma_start3A_154 = tpu.memref_slice %arg9[%dma_start3A_152, %dma_start3A_153] : memref<10240x80xf32, #tpu.memory_space<vmem_shared>> -> memref<10240x80xf32, #tpu.memory_space<vmem_shared>>
      tpu.enqueue_indirect_dma source(%dma_start3A_148 : memref<80x80xf32, #tpu.memory_space<vmem>>) target(%dma_start3A_154 : memref<10240x80xf32, #tpu.memory_space<vmem_shared>>) offsets(%dma_start3A_151 : memref<80xi32, #tpu.memory_space<vmem>>) semaphore(%arg11 : memref<!tpu.dma_semaphore, #tpu.memory_space<semaphore_mem>>) {add = true}
      %ge3A = arith.constant 4 : i32
      %ge3A_155 = arith.cmpi sge, %scan3A_133, %ge3A : i32
      %convert_element_type3A = arith.extui %ge3A_155 : i1 to i32
      %cond3A = arith.constant 0 : i32
      %cond3A_156 = arith.cmpi ne, %convert_element_type3A, %cond3A : i32
      scf.if %cond3A_156 {
        %sub3A = arith.constant 4 : i32
        %sub3A_163 = arith.subi %scan3A_133, %sub3A : i32
        %rem3A_164 = arith.constant 8 : i32
        %rem3A_165 = arith.remsi %sub3A_163, %rem3A_164 : i32
        %sub3A_166 = arith.constant 4 : i32
        %sub3A_167 = arith.subi %scan3A_133, %sub3A_166 : i32
        %dma_wait3A_168 = arith.constant 0 : i32
        %dma_wait3A_169 = arith.constant 0 : i32
        %dma_wait3A_170 = tpu.memref_slice %arg8[%rem3A_165, %dma_wait3A_168, %dma_wait3A_169] : memref<8x80x80xf32, #tpu.memory_space<vmem>> -> memref<1x80x80xf32, #tpu.memory_space<vmem>>
        %dma_wait3A_171 = tpu.memref_squeeze %dma_wait3A_170 : memref<1x80x80xf32, #tpu.memory_space<vmem>> -> memref<80x80xf32, #tpu.memory_space<vmem>>
        %dma_wait3A_172 = arith.constant 0 : i32
        %dma_wait3A_173 = tpu.memref_slice %arg7[%sub3A_167, %dma_wait3A_172] : memref<125x80xi32, #tpu.memory_space<vmem>> -> memref<1x80xi32, #tpu.memory_space<vmem>>
        %dma_wait3A_174 = tpu.memref_squeeze %dma_wait3A_173 : memref<1x80xi32, #tpu.memory_space<vmem>> -> memref<80xi32, #tpu.memory_space<vmem>>
        %dma_wait3A_175 = arith.constant 0 : i32
        %dma_wait3A_176 = arith.constant 0 : i32
        %dma_wait3A_177 = tpu.memref_slice %arg9[%dma_wait3A_175, %dma_wait3A_176] : memref<10240x80xf32, #tpu.memory_space<vmem_shared>> -> memref<10240x80xf32, #tpu.memory_space<vmem_shared>>
        tpu.wait_indirect_dma semaphore(%arg11 : memref<!tpu.dma_semaphore, #tpu.memory_space<semaphore_mem>>) src(%dma_wait3A_171 : memref<80x80xf32, #tpu.memory_space<vmem>>) dst(%dma_wait3A_177 : memref<10240x80xf32, #tpu.memory_space<vmem_shared>>)
      } else {
      }
      %add3A_157 = arith.constant 4 : i32
      %add3A_158 = arith.addi %scan3A_133, %add3A_157 : i32
      %lt3A = arith.constant 125 : i32
      %lt3A_159 = arith.cmpi slt, %add3A_158, %lt3A : i32
      %convert_element_type3A_160 = arith.extui %lt3A_159 : i1 to i32
      %cond3A_161 = arith.constant 0 : i32
      %cond3A_162 = arith.cmpi ne, %convert_element_type3A_160, %cond3A_161 : i32
      scf.if %cond3A_162 {
        %add3A_163 = arith.constant 4 : i32
        %add3A_164 = arith.addi %scan3A_133, %add3A_163 : i32
        %rem3A_165 = arith.constant 8 : i32
        %rem3A_166 = arith.remsi %add3A_164, %rem3A_165 : i32
        %add3A_167 = arith.constant 4 : i32
        %add3A_168 = arith.addi %scan3A_133, %add3A_167 : i32
        %dma_start3A_169 = arith.constant 0 : i32
        %dma_start3A_170 = arith.constant 0 : i32
        %dma_start3A_171 = tpu.memref_slice %arg8[%rem3A_166, %dma_start3A_169, %dma_start3A_170] : memref<8x80x80xf32, #tpu.memory_space<vmem>> -> memref<1x80x80xf32, #tpu.memory_space<vmem>>
        %dma_start3A_172 = tpu.memref_squeeze %dma_start3A_171 : memref<1x80x80xf32, #tpu.memory_space<vmem>> -> memref<80x80xf32, #tpu.memory_space<vmem>>
        %dma_start3A_173 = arith.constant 0 : i32
        %dma_start3A_174 = tpu.memref_slice %arg6[%add3A_168, %dma_start3A_173] : memref<125x80xi32, #tpu.memory_space<vmem>> -> memref<1x80xi32, #tpu.memory_space<vmem>>
        %dma_start3A_175 = tpu.memref_squeeze %dma_start3A_174 : memref<1x80xi32, #tpu.memory_space<vmem>> -> memref<80xi32, #tpu.memory_space<vmem>>
        %dma_start3A_176 = arith.constant 0 : i32
        %dma_start3A_177 = arith.constant 0 : i32
        %dma_start3A_178 = tpu.memref_slice %arg2[%dma_start3A_176, %dma_start3A_177] : memref<10000x80xf32, #tpu.memory_space<hbm>> -> memref<10000x80xf32, #tpu.memory_space<hbm>>
        tpu.enqueue_indirect_dma source(%dma_start3A_178 : memref<10000x80xf32, #tpu.memory_space<hbm>>) target(%dma_start3A_172 : memref<80x80xf32, #tpu.memory_space<vmem>>) offsets(%dma_start3A_175 : memref<80xi32, #tpu.memory_space<vmem>>) semaphore(%arg10 : memref<!tpu.dma_semaphore, #tpu.memory_space<semaphore_mem>>)
      } else {
      }
    }
    %scan3A_84 = arith.constant 125 : i32
    %dma_wait3A = arith.constant 1 : i32
    %dma_wait3A_85 = arith.constant 121 : i32
    %dma_wait3A_86 = arith.constant 0 : i32
    %dma_wait3A_87 = arith.constant 0 : i32
    %dma_wait3A_88 = tpu.memref_slice %arg8[%dma_wait3A, %dma_wait3A_86, %dma_wait3A_87] : memref<8x80x80xf32, #tpu.memory_space<vmem>> -> memref<1x80x80xf32, #tpu.memory_space<vmem>>
    %dma_wait3A_89 = tpu.memref_squeeze %dma_wait3A_88 : memref<1x80x80xf32, #tpu.memory_space<vmem>> -> memref<80x80xf32, #tpu.memory_space<vmem>>
    %dma_wait3A_90 = arith.constant 0 : i32
    %dma_wait3A_91 = tpu.memref_slice %arg7[%dma_wait3A_85, %dma_wait3A_90] : memref<125x80xi32, #tpu.memory_space<vmem>> -> memref<1x80xi32, #tpu.memory_space<vmem>>
    %dma_wait3A_92 = tpu.memref_squeeze %dma_wait3A_91 : memref<1x80xi32, #tpu.memory_space<vmem>> -> memref<80xi32, #tpu.memory_space<vmem>>
    %dma_wait3A_93 = arith.constant 0 : i32
    %dma_wait3A_94 = arith.constant 0 : i32
    %dma_wait3A_95 = tpu.memref_slice %arg9[%dma_wait3A_93, %dma_wait3A_94] : memref<10240x80xf32, #tpu.memory_space<vmem_shared>> -> memref<10240x80xf32, #tpu.memory_space<vmem_shared>>
    tpu.wait_indirect_dma semaphore(%arg11 : memref<!tpu.dma_semaphore, #tpu.memory_space<semaphore_mem>>) src(%dma_wait3A_89 : memref<80x80xf32, #tpu.memory_space<vmem>>) dst(%dma_wait3A_95 : memref<10240x80xf32, #tpu.memory_space<vmem_shared>>)
    %dma_wait3A_96 = arith.constant 2 : i32
    %dma_wait3A_97 = arith.constant 122 : i32
    %dma_wait3A_98 = arith.constant 0 : i32
    %dma_wait3A_99 = arith.constant 0 : i32
    %dma_wait3A_100 = tpu.memref_slice %arg8[%dma_wait3A_96, %dma_wait3A_98, %dma_wait3A_99] : memref<8x80x80xf32, #tpu.memory_space<vmem>> -> memref<1x80x80xf32, #tpu.memory_space<vmem>>
    %dma_wait3A_101 = tpu.memref_squeeze %dma_wait3A_100 : memref<1x80x80xf32, #tpu.memory_space<vmem>> -> memref<80x80xf32, #tpu.memory_space<vmem>>
    %dma_wait3A_102 = arith.constant 0 : i32
    %dma_wait3A_103 = tpu.memref_slice %arg7[%dma_wait3A_97, %dma_wait3A_102] : memref<125x80xi32, #tpu.memory_space<vmem>> -> memref<1x80xi32, #tpu.memory_space<vmem>>
    %dma_wait3A_104 = tpu.memref_squeeze %dma_wait3A_103 : memref<1x80xi32, #tpu.memory_space<vmem>> -> memref<80xi32, #tpu.memory_space<vmem>>
    %dma_wait3A_105 = arith.constant 0 : i32
    %dma_wait3A_106 = arith.constant 0 : i32
    %dma_wait3A_107 = tpu.memref_slice %arg9[%dma_wait3A_105, %dma_wait3A_106] : memref<10240x80xf32, #tpu.memory_space<vmem_shared>> -> memref<10240x80xf32, #tpu.memory_space<vmem_shared>>
    tpu.wait_indirect_dma semaphore(%arg11 : memref<!tpu.dma_semaphore, #tpu.memory_space<semaphore_mem>>) src(%dma_wait3A_101 : memref<80x80xf32, #tpu.memory_space<vmem>>) dst(%dma_wait3A_107 : memref<10240x80xf32, #tpu.memory_space<vmem_shared>>)
    %dma_wait3A_108 = arith.constant 3 : i32
    %dma_wait3A_109 = arith.constant 123 : i32
    %dma_wait3A_110 = arith.constant 0 : i32
    %dma_wait3A_111 = arith.constant 0 : i32
    %dma_wait3A_112 = tpu.memref_slice %arg8[%dma_wait3A_108, %dma_wait3A_110, %dma_wait3A_111] : memref<8x80x80xf32, #tpu.memory_space<vmem>> -> memref<1x80x80xf32, #tpu.memory_space<vmem>>
    %dma_wait3A_113 = tpu.memref_squeeze %dma_wait3A_112 : memref<1x80x80xf32, #tpu.memory_space<vmem>> -> memref<80x80xf32, #tpu.memory_space<vmem>>
    %dma_wait3A_114 = arith.constant 0 : i32
    %dma_wait3A_115 = tpu.memref_slice %arg7[%dma_wait3A_109, %dma_wait3A_114] : memref<125x80xi32, #tpu.memory_space<vmem>> -> memref<1x80xi32, #tpu.memory_space<vmem>>
    %dma_wait3A_116 = tpu.memref_squeeze %dma_wait3A_115 : memref<1x80xi32, #tpu.memory_space<vmem>> -> memref<80xi32, #tpu.memory_space<vmem>>
    %dma_wait3A_117 = arith.constant 0 : i32
    %dma_wait3A_118 = arith.constant 0 : i32
    %dma_wait3A_119 = tpu.memref_slice %arg9[%dma_wait3A_117, %dma_wait3A_118] : memref<10240x80xf32, #tpu.memory_space<vmem_shared>> -> memref<10240x80xf32, #tpu.memory_space<vmem_shared>>
    tpu.wait_indirect_dma semaphore(%arg11 : memref<!tpu.dma_semaphore, #tpu.memory_space<semaphore_mem>>) src(%dma_wait3A_113 : memref<80x80xf32, #tpu.memory_space<vmem>>) dst(%dma_wait3A_119 : memref<10240x80xf32, #tpu.memory_space<vmem_shared>>)
    %dma_wait3A_120 = arith.constant 4 : i32
    %dma_wait3A_121 = arith.constant 124 : i32
    %dma_wait3A_122 = arith.constant 0 : i32
    %dma_wait3A_123 = arith.constant 0 : i32
    %dma_wait3A_124 = tpu.memref_slice %arg8[%dma_wait3A_120, %dma_wait3A_122, %dma_wait3A_123] : memref<8x80x80xf32, #tpu.memory_space<vmem>> -> memref<1x80x80xf32, #tpu.memory_space<vmem>>
    %dma_wait3A_125 = tpu.memref_squeeze %dma_wait3A_124 : memref<1x80x80xf32, #tpu.memory_space<vmem>> -> memref<80x80xf32, #tpu.memory_space<vmem>>
    %dma_wait3A_126 = arith.constant 0 : i32
    %dma_wait3A_127 = tpu.memref_slice %arg7[%dma_wait3A_121, %dma_wait3A_126] : memref<125x80xi32, #tpu.memory_space<vmem>> -> memref<1x80xi32, #tpu.memory_space<vmem>>
    %dma_wait3A_128 = tpu.memref_squeeze %dma_wait3A_127 : memref<1x80xi32, #tpu.memory_space<vmem>> -> memref<80xi32, #tpu.memory_space<vmem>>
    %dma_wait3A_129 = arith.constant 0 : i32
    %dma_wait3A_130 = arith.constant 0 : i32
    %dma_wait3A_131 = tpu.memref_slice %arg9[%dma_wait3A_129, %dma_wait3A_130] : memref<10240x80xf32, #tpu.memory_space<vmem_shared>> -> memref<10240x80xf32, #tpu.memory_space<vmem_shared>>
    tpu.wait_indirect_dma semaphore(%arg11 : memref<!tpu.dma_semaphore, #tpu.memory_space<semaphore_mem>>) src(%dma_wait3A_125 : memref<80x80xf32, #tpu.memory_space<vmem>>) dst(%dma_wait3A_131 : memref<10240x80xf32, #tpu.memory_space<vmem_shared>>)
    %barrier3A_132 = arith.constant 0 : index
    tpu.barrier barrier_id(%barrier3A_132)
    "tpu.region"() ({
      %run_scoped3A_133 = tpu.sem_alloc : memref<!tpu.dma_semaphore, #tpu.memory_space<semaphore_mem>>
      %dma_start3A_134 = arith.constant 0 : i32
      %dma_start3A_135 = tpu.memref_slice %arg5[%arg0, %mul3A_8, %dma_start3A_134] : memref<2x10240x128xf32, #tpu.memory_space<hbm>> -> memref<1x640x80xf32, #tpu.memory_space<hbm>>
      %dma_start3A_136 = tpu.memref_squeeze %dma_start3A_135 : memref<1x640x80xf32, #tpu.memory_space<hbm>> -> memref<640x80xf32, #tpu.memory_space<hbm>>
      %dma_start3A_137 = arith.constant 0 : i32
      %dma_start3A_138 = tpu.memref_slice %arg9[%mul3A_8, %dma_start3A_137] : memref<10240x80xf32, #tpu.memory_space<vmem_shared>> -> memref<640x80xf32, #tpu.memory_space<vmem_shared>>
      tpu.enqueue_dma source(%dma_start3A_138 : memref<640x80xf32, #tpu.memory_space<vmem_shared>>) target(%dma_start3A_136 : memref<640x80xf32, #tpu.memory_space<hbm>>) target_semaphore(%run_scoped3A_133 : memref<!tpu.dma_semaphore, #tpu.memory_space<semaphore_mem>>)
      %dma_wait3A_139 = arith.constant 0 : i32
      %dma_wait3A_140 = tpu.memref_slice %arg5[%arg0, %mul3A_8, %dma_wait3A_139] : memref<2x10240x128xf32, #tpu.memory_space<hbm>> -> memref<1x640x80xf32, #tpu.memory_space<hbm>>
      %dma_wait3A_141 = tpu.memref_squeeze %dma_wait3A_140 : memref<1x640x80xf32, #tpu.memory_space<hbm>> -> memref<640x80xf32, #tpu.memory_space<hbm>>
      %dma_wait3A_142 = arith.constant 0 : i32
      %dma_wait3A_143 = tpu.memref_slice %arg9[%mul3A_8, %dma_wait3A_142] : memref<10240x80xf32, #tpu.memory_space<vmem_shared>> -> memref<640x80xf32, #tpu.memory_space<vmem_shared>>
      tpu.wait_dma2 semaphore(%run_scoped3A_133 : memref<!tpu.dma_semaphore, #tpu.memory_space<semaphore_mem>>) src(%dma_wait3A_143 : memref<640x80xf32, #tpu.memory_space<vmem_shared>>) dst(%dma_wait3A_141 : memref<640x80xf32, #tpu.memory_space<hbm>>)
      tpu.yield
    }) : () -> ()
    return
  }
}

module attributes {stable_mosaic.version = 14 : i64} {
  func.func @_mlp_body(%arg0: i32, %arg1: memref<1000x128xf32, #tpu.memory_space<vmem>>, %arg2: memref<128x128xbf16, #tpu.memory_space<vmem>>, %arg3: memref<1x128xf32, #tpu.memory_space<vmem>>, %arg4: memref<128x64xbf16, #tpu.memory_space<vmem>>, %arg5: memref<1x64xf32, #tpu.memory_space<vmem>>, %arg6: memref<1000x80xf32, #tpu.memory_space<vmem>>) attributes {dimension_semantics = [#tpu.dimension_semantics<arbitrary>], iteration_bounds = array<i64: 10>, scalar_prefetch = 0 : i64, scratch_operands = 0 : i64, tpu.core_type = #tpu.core_type<tc>, window_params = [{transform_indices = @transform_0, window_bounds = array<i64: 1000, 128>}, {pipeline_mode = #tpu.pipeline_mode<synchronous>, transform_indices = @transform_1, window_bounds = array<i64: 128, 128>}, {pipeline_mode = #tpu.pipeline_mode<synchronous>, transform_indices = @transform_2, window_bounds = array<i64: 1, 128>}, {pipeline_mode = #tpu.pipeline_mode<synchronous>, transform_indices = @transform_3, window_bounds = array<i64: 128, 64>}, {pipeline_mode = #tpu.pipeline_mode<synchronous>, transform_indices = @transform_4, window_bounds = array<i64: 1, 64>}, {transform_indices = @transform_5, window_bounds = array<i64: 1000, 80>}]} {
    %get3A = arith.constant 0 : index
    %get3A_0 = arith.constant 0 : index
    %get3A_1 = vector.load %arg1[%get3A, %get3A_0] : memref<1000x128xf32, #tpu.memory_space<vmem>>, vector<1000x128xf32>
    %convert_element_type3A = arith.truncf %get3A_1 : vector<1000x128xf32> to vector<1000x128xbf16>
    %get3A_2 = arith.constant 0 : index
    %get3A_3 = arith.constant 0 : index
    %get3A_4 = vector.load %arg2[%get3A_2, %get3A_3] : memref<128x128xbf16, #tpu.memory_space<vmem>>, vector<128x128xbf16>
    %dot_general3A = arith.constant dense<0.000000e+00> : vector<1000x128xf32>
    %dot_general3A_5 = tpu.matmul %convert_element_type3A, %get3A_4, %dot_general3A {dimension_numbers = #tpu.dot_dimension_numbers<[1], [0], [0], [1], [0, 0, 1, 1], [], []>, transpose_lhs_hint = false} : vector<1000x128xbf16>, vector<128x128xbf16>, vector<1000x128xf32> -> vector<1000x128xf32>
    %get3A_6 = arith.constant 0 : index
    %get3A_7 = arith.constant 0 : index
    %get3A_8 = vector.load %arg3[%get3A_6, %get3A_7] : memref<1x128xf32, #tpu.memory_space<vmem>>, vector<1x128xf32>
    %add3A = vector.broadcast %get3A_8 : vector<1x128xf32> to vector<1000x128xf32>
    %add3A_9 = arith.addf %dot_general3A_5, %add3A : vector<1000x128xf32>
    %max3A = arith.constant 0.000000e+00 : f32
    %max3A_10 = vector.broadcast %max3A : f32 to vector<1000x128xf32>
    %max3A_11 = arith.maximumf %add3A_9, %max3A_10 : vector<1000x128xf32>
    %convert_element_type3A_12 = arith.truncf %max3A_11 : vector<1000x128xf32> to vector<1000x128xbf16>
    %get3A_13 = arith.constant 0 : index
    %get3A_14 = arith.constant 0 : index
    %get3A_15 = vector.load %arg4[%get3A_13, %get3A_14] : memref<128x64xbf16, #tpu.memory_space<vmem>>, vector<128x64xbf16>
    %dot_general3A_16 = arith.constant dense<0.000000e+00> : vector<1000x64xf32>
    %dot_general3A_17 = tpu.matmul %convert_element_type3A_12, %get3A_15, %dot_general3A_16 {dimension_numbers = #tpu.dot_dimension_numbers<[1], [0], [0], [1], [0, 0, 1, 1], [], []>, transpose_lhs_hint = false} : vector<1000x128xbf16>, vector<128x64xbf16>, vector<1000x64xf32> -> vector<1000x64xf32>
    %get3A_18 = arith.constant 0 : index
    %get3A_19 = arith.constant 0 : index
    %get3A_20 = vector.load %arg5[%get3A_18, %get3A_19] : memref<1x64xf32, #tpu.memory_space<vmem>>, vector<1x64xf32>
    %add3A_21 = vector.broadcast %get3A_20 : vector<1x64xf32> to vector<1000x64xf32>
    %add3A_22 = arith.addf %dot_general3A_17, %add3A_21 : vector<1000x64xf32>
    %max3A_23 = arith.constant 0.000000e+00 : f32
    %max3A_24 = vector.broadcast %max3A_23 : f32 to vector<1000x64xf32>
    %max3A_25 = arith.maximumf %add3A_22, %max3A_24 : vector<1000x64xf32>
    %broadcast_in_dim3A = arith.constant 1.000000e+00 : f32
    %broadcast_in_dim3A_26 = vector.broadcast %broadcast_in_dim3A : f32 to vector<1000x1xf32>
    %broadcast_in_dim3A_27 = arith.constant 0.000000e+00 : f32
    %broadcast_in_dim3A_28 = vector.broadcast %broadcast_in_dim3A_27 : f32 to vector<1000x15xf32>
    %concatenate3A = tpu.concatenate %max3A_25, %broadcast_in_dim3A_26, %broadcast_in_dim3A_28 in 1 : vector<1000x64xf32>, vector<1000x1xf32>, vector<1000x15xf32> -> vector<1000x80xf32>
    %swap3A = arith.constant 0 : index
    %swap3A_29 = arith.constant 0 : index
    %swap3A_30 = vector.load %arg6[%swap3A, %swap3A_29] : memref<1000x80xf32, #tpu.memory_space<vmem>>, vector<1000x80xf32>
    tpu.vector_store %arg6[%swap3A, %swap3A_29], %concatenate3A {strides = array<i32>} : memref<1000x80xf32, #tpu.memory_space<vmem>>, vector<1000x80xf32>,
    return
  }
  func.func @transform_0(%arg0: i32) -> (i32, i32) {
    %c0_i32 = arith.constant 0 : i32
    %c0_i32_0 = arith.constant 0 : i32
    return %arg0, %c0_i32 : i32, i32
  }
  func.func @transform_1(%arg0: i32) -> (i32, i32) {
    %c0_i32 = arith.constant 0 : i32
    %c0_i32_0 = arith.constant 0 : i32
    %c0_i32_1 = arith.constant 0 : i32
    return %c0_i32, %c0_i32_0 : i32, i32
  }
  func.func @transform_2(%arg0: i32) -> (i32, i32) {
    %c0_i32 = arith.constant 0 : i32
    %c0_i32_0 = arith.constant 0 : i32
    %c0_i32_1 = arith.constant 0 : i32
    return %c0_i32, %c0_i32_0 : i32, i32
  }
  func.func @transform_3(%arg0: i32) -> (i32, i32) {
    %c0_i32 = arith.constant 0 : i32
    %c0_i32_0 = arith.constant 0 : i32
    %c0_i32_1 = arith.constant 0 : i32
    return %c0_i32, %c0_i32_0 : i32, i32
  }
  func.func @transform_4(%arg0: i32) -> (i32, i32) {
    %c0_i32 = arith.constant 0 : i32
    %c0_i32_0 = arith.constant 0 : i32
    %c0_i32_1 = arith.constant 0 : i32
    return %c0_i32, %c0_i32_0 : i32, i32
  }
  func.func @transform_5(%arg0: i32) -> (i32, i32) {
    %c0_i32 = arith.constant 0 : i32
    %c0_i32_0 = arith.constant 0 : i32
    return %arg0, %c0_i32 : i32, i32
  }
}

module attributes {stable_mosaic.version = 14 : i64} {
  func.func @_gru_body(%arg0: i32, %arg1: memref<1000x128xf32, #tpu.memory_space<vmem>>, %arg2: memref<1000x128xf32, #tpu.memory_space<vmem>>, %arg3: memref<2x1000x128xf32, #tpu.memory_space<vmem>>, %arg4: memref<128x384xf32, #tpu.memory_space<vmem>>, %arg5: memref<64x384xf32, #tpu.memory_space<vmem>>, %arg6: memref<128x384xf32, #tpu.memory_space<vmem>>, %arg7: memref<1x384xf32, #tpu.memory_space<vmem>>, %arg8: memref<1x384xf32, #tpu.memory_space<vmem>>, %arg9: memref<1000x128xf32, #tpu.memory_space<vmem>>, %arg10: memref<1000x128xf32, #tpu.memory_space<vmem>>) attributes {dimension_semantics = [#tpu.dimension_semantics<arbitrary>], iteration_bounds = array<i64: 10>, scalar_prefetch = 0 : i64, scratch_operands = 0 : i64, tpu.core_type = #tpu.core_type<tc>, window_params = [{transform_indices = @transform_0, window_bounds = array<i64: 1000, 128>}, {transform_indices = @transform_1, window_bounds = array<i64: 1000, 128>}, {transform_indices = @transform_2, window_bounds = array<i64: 2, 1000, 128>}, {pipeline_mode = #tpu.pipeline_mode<synchronous>, transform_indices = @transform_3, window_bounds = array<i64: 128, 384>}, {pipeline_mode = #tpu.pipeline_mode<synchronous>, transform_indices = @transform_4, window_bounds = array<i64: 64, 384>}, {pipeline_mode = #tpu.pipeline_mode<synchronous>, transform_indices = @transform_5, window_bounds = array<i64: 128, 384>}, {pipeline_mode = #tpu.pipeline_mode<synchronous>, transform_indices = @transform_6, window_bounds = array<i64: 1, 384>}, {pipeline_mode = #tpu.pipeline_mode<synchronous>, transform_indices = @transform_7, window_bounds = array<i64: 1, 384>}, {transform_indices = @transform_8, window_bounds = array<i64: 1000, 128>}, {transform_indices = @transform_9, window_bounds = array<i64: 1000, 128>}]} {
    %get3A = arith.constant 0 : index
    %get3A_0 = arith.constant 0 : index
    %get3A_1 = arith.constant 0 : index
    %get3A_2 = vector.load %arg3[%get3A, %get3A_0, %get3A_1] : memref<2x1000x128xf32, #tpu.memory_space<vmem>>, vector<2x1000x128xf32>
    %slice3A = vector.extract_strided_slice %get3A_2 {offsets = [0, 0, 0], sizes = [1, 1000, 128], strides = [1, 1, 1]} : vector<2x1000x128xf32> to vector<1x1000x128xf32>
    %squeeze3A = vector.shape_cast %slice3A : vector<1x1000x128xf32> to vector<1000x128xf32>
    %slice3A_3 = vector.extract_strided_slice %get3A_2 {offsets = [1, 0, 0], sizes = [1, 1000, 128], strides = [1, 1, 1]} : vector<2x1000x128xf32> to vector<1x1000x128xf32>
    %squeeze3A_4 = vector.shape_cast %slice3A_3 : vector<1x1000x128xf32> to vector<1000x128xf32>
    %add3A = arith.addf %squeeze3A, %squeeze3A_4 : vector<1000x128xf32>
    %slice3A_5 = vector.extract_strided_slice %add3A {offsets = [0, 0], sizes = [1000, 64], strides = [1, 1]} : vector<1000x128xf32> to vector<1000x64xf32>
    %slice3A_6 = vector.extract_strided_slice %add3A {offsets = [0, 64], sizes = [1000, 1], strides = [1, 1]} : vector<1000x128xf32> to vector<1000x1xf32>
    %max3A = arith.constant 1.000000e+00 : f32
    %max3A_7 = vector.broadcast %max3A : f32 to vector<1000x1xf32>
    %max3A_8 = arith.maximumf %slice3A_6, %max3A_7 : vector<1000x1xf32>
    %div3A = vector.broadcast %max3A_8 : vector<1000x1xf32> to vector<1000x64xf32>
    %div3A_9 = arith.divf %slice3A_5, %div3A : vector<1000x64xf32>
    %get3A_10 = arith.constant 0 : index
    %get3A_11 = arith.constant 0 : index
    %get3A_12 = vector.load %arg1[%get3A_10, %get3A_11] : memref<1000x128xf32, #tpu.memory_space<vmem>>, vector<1000x128xf32>
    %get3A_13 = arith.constant 0 : index
    %get3A_14 = arith.constant 0 : index
    %get3A_15 = vector.load %arg4[%get3A_13, %get3A_14] : memref<128x384xf32, #tpu.memory_space<vmem>>, vector<128x384xf32>
    %dot_general3A = arith.constant dense<0.000000e+00> : vector<1000x384xf32>
    %dot_general3A_16 = tpu.matmul %get3A_12, %get3A_15, %dot_general3A {dimension_numbers = #tpu.dot_dimension_numbers<[1], [0], [0], [1], [0, 0, 1, 1], [], []>, transpose_lhs_hint = false} : vector<1000x128xf32>, vector<128x384xf32>, vector<1000x384xf32> -> vector<1000x384xf32>
    %get3A_17 = arith.constant 0 : index
    %get3A_18 = arith.constant 0 : index
    %get3A_19 = vector.load %arg5[%get3A_17, %get3A_18] : memref<64x384xf32, #tpu.memory_space<vmem>>, vector<64x384xf32>
    %dot_general3A_20 = arith.constant dense<0.000000e+00> : vector<1000x384xf32>
    %dot_general3A_21 = tpu.matmul %div3A_9, %get3A_19, %dot_general3A_20 {dimension_numbers = #tpu.dot_dimension_numbers<[1], [0], [0], [1], [0, 0, 1, 1], [], []>, transpose_lhs_hint = false} : vector<1000x64xf32>, vector<64x384xf32>, vector<1000x384xf32> -> vector<1000x384xf32>
    %add3A_22 = arith.addf %dot_general3A_16, %dot_general3A_21 : vector<1000x384xf32>
    %get3A_23 = arith.constant 0 : index
    %get3A_24 = arith.constant 0 : index
    %get3A_25 = vector.load %arg7[%get3A_23, %get3A_24] : memref<1x384xf32, #tpu.memory_space<vmem>>, vector<1x384xf32>
    %add3A_26 = vector.broadcast %get3A_25 : vector<1x384xf32> to vector<1000x384xf32>
    %add3A_27 = arith.addf %add3A_22, %add3A_26 : vector<1000x384xf32>
    %get3A_28 = arith.constant 0 : index
    %get3A_29 = arith.constant 0 : index
    %get3A_30 = vector.load %arg2[%get3A_28, %get3A_29] : memref<1000x128xf32, #tpu.memory_space<vmem>>, vector<1000x128xf32>
    %get3A_31 = arith.constant 0 : index
    %get3A_32 = arith.constant 0 : index
    %get3A_33 = vector.load %arg6[%get3A_31, %get3A_32] : memref<128x384xf32, #tpu.memory_space<vmem>>, vector<128x384xf32>
    %dot_general3A_34 = arith.constant dense<0.000000e+00> : vector<1000x384xf32>
    %dot_general3A_35 = tpu.matmul %get3A_30, %get3A_33, %dot_general3A_34 {dimension_numbers = #tpu.dot_dimension_numbers<[1], [0], [0], [1], [0, 0, 1, 1], [], []>, transpose_lhs_hint = false} : vector<1000x128xf32>, vector<128x384xf32>, vector<1000x384xf32> -> vector<1000x384xf32>
    %get3A_36 = arith.constant 0 : index
    %get3A_37 = arith.constant 0 : index
    %get3A_38 = vector.load %arg8[%get3A_36, %get3A_37] : memref<1x384xf32, #tpu.memory_space<vmem>>, vector<1x384xf32>
    %add3A_39 = vector.broadcast %get3A_38 : vector<1x384xf32> to vector<1000x384xf32>
    %add3A_40 = arith.addf %dot_general3A_35, %add3A_39 : vector<1000x384xf32>
    %slice3A_41 = vector.extract_strided_slice %add3A_27 {offsets = [0, 0], sizes = [1000, 128], strides = [1, 1]} : vector<1000x384xf32> to vector<1000x128xf32>
    %slice3A_42 = vector.extract_strided_slice %add3A_40 {offsets = [0, 0], sizes = [1000, 128], strides = [1, 1]} : vector<1000x384xf32> to vector<1000x128xf32>
    %add3A_43 = arith.addf %slice3A_41, %slice3A_42 : vector<1000x128xf32>
    %logistic3A = arith.negf %add3A_43 : vector<1000x128xf32>
    %logistic3A_44 = math.exp %logistic3A : vector<1000x128xf32>
    %logistic3A_45 = arith.constant 1.000000e+00 : f32
    %logistic3A_46 = vector.broadcast %logistic3A_45 : f32 to vector<1000x128xf32>
    %logistic3A_47 = arith.addf %logistic3A_46, %logistic3A_44 : vector<1000x128xf32>
    %logistic3A_48 = arith.divf %logistic3A_46, %logistic3A_47 : vector<1000x128xf32>
    %slice3A_49 = vector.extract_strided_slice %add3A_27 {offsets = [0, 128], sizes = [1000, 128], strides = [1, 1]} : vector<1000x384xf32> to vector<1000x128xf32>
    %slice3A_50 = vector.extract_strided_slice %add3A_40 {offsets = [0, 128], sizes = [1000, 128], strides = [1, 1]} : vector<1000x384xf32> to vector<1000x128xf32>
    %add3A_51 = arith.addf %slice3A_49, %slice3A_50 : vector<1000x128xf32>
    %logistic3A_52 = arith.negf %add3A_51 : vector<1000x128xf32>
    %logistic3A_53 = math.exp %logistic3A_52 : vector<1000x128xf32>
    %logistic3A_54 = arith.constant 1.000000e+00 : f32
    %logistic3A_55 = vector.broadcast %logistic3A_54 : f32 to vector<1000x128xf32>
    %logistic3A_56 = arith.addf %logistic3A_55, %logistic3A_53 : vector<1000x128xf32>
    %logistic3A_57 = arith.divf %logistic3A_55, %logistic3A_56 : vector<1000x128xf32>
    %slice3A_58 = vector.extract_strided_slice %add3A_27 {offsets = [0, 256], sizes = [1000, 128], strides = [1, 1]} : vector<1000x384xf32> to vector<1000x128xf32>
    %slice3A_59 = vector.extract_strided_slice %add3A_40 {offsets = [0, 256], sizes = [1000, 128], strides = [1, 1]} : vector<1000x384xf32> to vector<1000x128xf32>
    %mul3A = arith.mulf %logistic3A_48, %slice3A_59 : vector<1000x128xf32>
    %add3A_60 = arith.addf %slice3A_58, %mul3A : vector<1000x128xf32>
    %tanh3A = math.tanh %add3A_60 : vector<1000x128xf32>
    %sub3A = arith.constant 1.000000e+00 : f32
    %sub3A_61 = vector.broadcast %sub3A : f32 to vector<1000x128xf32>
    %sub3A_62 = arith.subf %sub3A_61, %logistic3A_57 : vector<1000x128xf32>
    %mul3A_63 = arith.mulf %sub3A_62, %tanh3A : vector<1000x128xf32>
    %get3A_64 = arith.constant 0 : index
    %get3A_65 = arith.constant 0 : index
    %get3A_66 = vector.load %arg2[%get3A_64, %get3A_65] : memref<1000x128xf32, #tpu.memory_space<vmem>>, vector<1000x128xf32>
    %mul3A_67 = arith.mulf %logistic3A_57, %get3A_66 : vector<1000x128xf32>
    %add3A_68 = arith.addf %mul3A_63, %mul3A_67 : vector<1000x128xf32>
    %swap3A = arith.constant 0 : index
    %swap3A_69 = arith.constant 0 : index
    %swap3A_70 = vector.load %arg9[%swap3A, %swap3A_69] : memref<1000x128xf32, #tpu.memory_space<vmem>>, vector<1000x128xf32>
    tpu.vector_store %arg9[%swap3A, %swap3A_69], %add3A_68 {strides = array<i32>} : memref<1000x128xf32, #tpu.memory_space<vmem>>, vector<1000x128xf32>,
    %swap3A_71 = arith.constant 0 : index
    %swap3A_72 = arith.constant 0 : index
    %swap3A_73 = vector.load %arg10[%swap3A_71, %swap3A_72] : memref<1000x128xf32, #tpu.memory_space<vmem>>, vector<1000x128xf32>
    tpu.vector_store %arg10[%swap3A_71, %swap3A_72], %add3A_68 {strides = array<i32>} : memref<1000x128xf32, #tpu.memory_space<vmem>>, vector<1000x128xf32>,
    return
  }
  func.func @transform_0(%arg0: i32) -> (i32, i32) {
    %c0_i32 = arith.constant 0 : i32
    %c0_i32_0 = arith.constant 0 : i32
    return %arg0, %c0_i32 : i32, i32
  }
  func.func @transform_1(%arg0: i32) -> (i32, i32) {
    %c0_i32 = arith.constant 0 : i32
    %c0_i32_0 = arith.constant 0 : i32
    return %arg0, %c0_i32 : i32, i32
  }
  func.func @transform_2(%arg0: i32) -> (i32, i32, i32) {
    %c0_i32 = arith.constant 0 : i32
    %c0_i32_0 = arith.constant 0 : i32
    %c0_i32_1 = arith.constant 0 : i32
    return %c0_i32, %arg0, %c0_i32_0 : i32, i32, i32
  }
  func.func @transform_3(%arg0: i32) -> (i32, i32) {
    %c0_i32 = arith.constant 0 : i32
    %c0_i32_0 = arith.constant 0 : i32
    %c0_i32_1 = arith.constant 0 : i32
    return %c0_i32, %c0_i32_0 : i32, i32
  }
  func.func @transform_4(%arg0: i32) -> (i32, i32) {
    %c0_i32 = arith.constant 0 : i32
    %c0_i32_0 = arith.constant 0 : i32
    %c0_i32_1 = arith.constant 0 : i32
    return %c0_i32, %c0_i32_0 : i32, i32
  }
  func.func @transform_5(%arg0: i32) -> (i32, i32) {
    %c0_i32 = arith.constant 0 : i32
    %c0_i32_0 = arith.constant 0 : i32
    %c0_i32_1 = arith.constant 0 : i32
    return %c0_i32, %c0_i32_0 : i32, i32
  }
  func.func @transform_6(%arg0: i32) -> (i32, i32) {
    %c0_i32 = arith.constant 0 : i32
    %c0_i32_0 = arith.constant 0 : i32
    %c0_i32_1 = arith.constant 0 : i32
    return %c0_i32, %c0_i32_0 : i32, i32
  }
  func.func @transform_7(%arg0: i32) -> (i32, i32) {
    %c0_i32 = arith.constant 0 : i32
    %c0_i32_0 = arith.constant 0 : i32
    %c0_i32_1 = arith.constant 0 : i32
    return %c0_i32, %c0_i32_0 : i32, i32
  }
  func.func @transform_8(%arg0: i32) -> (i32, i32) {
    %c0_i32 = arith.constant 0 : i32
    %c0_i32_0 = arith.constant 0 : i32
    return %arg0, %c0_i32 : i32, i32
  }
  func.func @transform_9(%arg0: i32) -> (i32, i32) {
    %c0_i32 = arith.constant 0 : i32
    %c0_i32_0 = arith.constant 0 : i32
    return %arg0, %c0_i32 : i32, i32
  }
}

</mosaic_0001>

<sc_bundles>
// kernel: kernel.5.cloned.1.call-start
scs
__scs_entry_jumppad:
0x0: {  	(pc) =	sbr.rel $0x88, $3  }
0x1: {  	(tag) =	ssettag $0x0;
	lr =	simm.s32 $0x1  }
0x2: {  	[smem:$0x3F96] =	sst lr;
	_ =	strace $0xD0000000  }
0x3: {  	_ = 	snop  }
0x4: {  	_ = 	snop  }
0x5: {  	_ = 	snop  }
0x6: {  	_ = 	snop  }
0x7: {  	_ = 	snop  }
__scs_overlays_trampoline_lowered:
0x8: {  	[smem:$0x3FA5] =	sst s0  }
0x9: {  	[smem:$0x3FA6] =	sst s1  }
0xa: {  	[smem:$0x3FA7] =	sst s2  }
0xb: {  	[smem:$0x3FA8] =	sst s3  }
0xc: {  	[smem:$0x3FA9] =	sst s4  }
0xd: {  	[smem:$0x3FAA] =	sst s5  }
0xe: {  	[smem:$0x3FAB] =	sst s6  }
0xf: {  	[smem:$0x3FAC] =	sst s7  }
0x10: {  	[smem:$0x3FAD] =	sst s8  }
0x11: {  	[smem:$0x3FAE] =	sst s9;
	s0 =	simm.s32 @!p0 $0x0  }
0x12: {  	s1 =	sld [smem:$0x3F94];
	s0 =	simm.s32 @p0 $0x1  }
0x13: {  	[smem:$0x3FAF] =	sst s0;
	s0 =	simm.s32 @!p1 $0x0  }
0x14: {  	s2 =	sld [smem:$0x3F93];
	s0 =	simm.s32 @p1 $0x1  }
0x15: {  	[smem:$0x3FB0] =	sst s0;
	s0 =	simm.s32 @!p2 $0x0  }
0x16: {  	s3 =	sld [smem:$0x3FDB];
	s0 =	simm.s32 @p2 $0x1  }
0x17: {  	s4 =	simm.s32 $0x1BF5;
	[smem:$0x3FB2] =	sst s0  }
0x18: {  	s0 =	sld [smem:$0x3F95];
	_ =	swait.ge [sflag:s4], $0x0  }
0x19: {  	s7 =	sld [smem:$0x3F96]  }
0x1a: {  	s8 =	sadd.s32 $0xFFFFE003, lr  }
0x1b: {  	s9 =	sadd.s32 $0xFFFFFEF7, lr;
	s5 =	simm.s32 $0xFFFFFFFF;
	p2 =	slt.u32 s8, $0xFFFFF086  }
0x1c: {  	p1 =	slt.u32 s9, $0xF7A;
	s5 =	simm.s32 @!p2 $0x0  }
0x1d: {  	s5 =	simm.s32 @p1 $0x1;
	p0 =	seq.s32 s7, s2  }
0x1e: {  	s7 =	smul.u32 @!p0 $0xF7A, s2;
	p2 =	seq.s32 @!p0 s5, $0x0  }
0x1f: {  	s9 =	smul.u32 $0xF7A, s1;
	s8 =	simm.s32 @!p0 $0x1BF5;
	p2 =	por !p2, p0  }
0x20: {  	[sflag:s8] =	ssyncset.s32 @!p0 $0xFFFFF086;
	s6 =	sadd.s32 @!p0 s3, s7;
	s7 =	simm.s32 @!p0 $0x108  }
0x21: {  	s3 =	sadd.s32 s3, s9;
	s6 =	sadd.s32 @!p0 $0x88, s6;
	s7 =	simm.s32 @p2 $0x1082  }
0x22: {  	[simem:s7], [sflag:s8] =	dma.local @!p0 [hbm:s6], $0xF7A  }
0x23: {  	s9 =	sor.u32 $0xD0000000, s2;
	s6 =	simm.s32 $0x108;
	_ =	swait.ge @!p0 [sflag:s8], $0x0  }
0x24: {  	s3 =	sadd.s32 $0x88, s3;
	s6 =	simm.s32 @!p1 $0x1082;
	[sflag:s4] =	ssyncset.s32 $0xFFFFF086  }
0x25: {  	[simem:s6], [sflag:s4] =	dma.local [hbm:s3], $0xF7A  }
0x26: {  	[smem:$0x3F96] =	sst s1;
	(tag) =	ssettag s2;
	_ =	strace s9  }
0x27: {  	s1 =	sld [smem:$0x3FA6]  }
0x28: {  	s2 =	sld [smem:$0x3FA7]  }
0x29: {  	s4 =	sld [smem:$0x3FA9]  }
0x2a: {  	p0 =	seq.s32 s5, $0x0;
	s5 =	sld [smem:$0x3FAA]  }
0x2b: {  	s6 =	sld [smem:$0x3FAB]  }
0x2c: {  	s7 =	sld [smem:$0x3FAC]  }
0x2d: {  	s3 =	simm.s32 $0x108;
	s8 =	sld [smem:$0x3FAD]  }
0x2e: {  	s3 =	simm.s32 @!p0 $0x1082;
	s9 =	sld [smem:$0x3FAE]  }
0x2f: {  	lr =	sadd.s32 s0, s3;
	s0 =	sld [smem:$0x3FA5]  }
0x30: {  	s3 =	sld [smem:$0x3FA8]  }
0x31: {  	[smem:$0x3FB1] =	sst s10  }
0x32: {  	s10 =	sld [smem:$0x3FAF];
	_ =	sdelay $0x3  }
0x33: {  	p0 =	seq.s32 s10, $0x1;
	s10 =	sld [smem:$0x3FB1];
	_ =	sdelay $0x3  }
0x34: {  	[smem:$0x3FB1] =	sst s10  }
0x35: {  	s10 =	sld [smem:$0x3FB0];
	_ =	sdelay $0x3  }
0x36: {  	p1 =	seq.s32 s10, $0x1;
	s10 =	sld [smem:$0x3FB1];
	_ =	sdelay $0x3  }
0x37: {  	[smem:$0x3FB1] =	sst s10  }
0x38: {  	s10 =	sld [smem:$0x3FB2]  }
0x39: {  	_ = 	snop;
	(pc) =	sbr.ind lr, $3  }
0x3a: {  	_ = 	snop  }
0x3b: {  	_ = 	snop  }
0x3c: {  	p2 =	seq.s32 s10, $0x1;
	s10 =	sld [smem:$0x3FB1]  }
0x3d: {  	_ =	shalt  }
0x3e: {  	_ =	shalt  }
0x3f: {  	_ =	shalt  }
0x40: {  	_ =	shalt  }
0x41: {  	_ =	shalt  }
0x42: {  	_ =	shalt  }
0x43: {  	_ =	shalt  }
0x44: {  	_ =	shalt  }
0x45: {  	_ =	shalt  }
0x46: {  	_ =	shalt  }
0x47: {  	_ =	shalt  }
0x48: {  	_ =	shalt  }
0x49: {  	_ =	shalt  }
0x4a: {  	_ =	shalt  }
0x4b: {  	_ =	shalt  }
0x4c: {  	_ =	shalt  }
0x4d: {  	_ =	shalt  }
0x4e: {  	_ =	shalt  }
0x4f: {  	_ =	shalt  }
0x50: {  	_ =	shalt  }
0x51: {  	_ =	shalt  }
0x52: {  	_ =	shalt  }
0x53: {  	_ =	shalt  }
0x54: {  	_ =	shalt  }
0x55: {  	_ =	shalt  }
0x56: {  	_ =	shalt  }
0x57: {  	_ =	shalt  }
0x58: {  	_ =	shalt  }
0x59: {  	_ =	shalt  }
0x5a: {  	_ =	shalt  }
0x5b: {  	_ =	shalt  }
0x5c: {  	_ =	shalt  }
0x5d: {  	_ =	shalt  }
0x5e: {  	_ =	shalt  }
0x5f: {  	_ =	shalt  }
0x60: {  	_ =	shalt  }
0x61: {  	_ =	shalt  }
0x62: {  	_ =	shalt  }
0x63: {  	_ =	shalt  }
0x64: {  	_ =	shalt  }
0x65: {  	_ =	shalt  }
0x66: {  	_ =	shalt  }
0x67: {  	_ =	shalt  }
0x68: {  	_ =	shalt  }
0x69: {  	_ =	shalt  }
0x6a: {  	_ =	shalt  }
0x6b: {  	_ =	shalt  }
0x6c: {  	_ =	shalt  }
0x6d: {  	_ =	shalt  }
0x6e: {  	_ =	shalt  }
0x6f: {  	_ =	shalt  }
0x70: {  	_ =	shalt  }
0x71: {  	_ =	shalt  }
0x72: {  	_ =	shalt  }
0x73: {  	_ =	shalt  }
0x74: {  	_ =	shalt  }
0x75: {  	_ =	shalt  }
0x76: {  	_ =	shalt  }
0x77: {  	_ =	shalt  }
0x78: {  	_ =	shalt  }
0x79: {  	_ =	shalt  }
0x7a: {  	_ =	shalt  }
0x7b: {  	_ =	shalt  }
0x7c: {  	_ =	shalt  }
0x7d: {  	_ =	shalt  }
0x7e: {  	_ =	shalt  }
0x7f: {  	_ =	shalt  }
0x80: {  	_ =	shalt  }
0x81: {  	_ =	shalt  }
0x82: {  	_ =	shalt  }
0x83: {  	_ =	shalt  }
0x84: {  	_ =	shalt  }
0x85: {  	_ =	shalt  }
0x86: {  	_ =	shalt  }
0x87: {  	_ =	shalt  }
.Lfunc_end0:
.L_simem_size_0:
called_computation_lowered:
.L_overlay_start_0:
0x88: {  	s2 =	sld [smem:$0x3FD9]  }
0x89: {  	s3 =	sld [smem:$0x3FFE];
	_ =	sdelay $0x1  }
0x8a: {  	s1 =	srdreg.scid  }
0x8b: {  	s0 =	sand.u32 $0x1, s1  }
0x8c: {  	s14 =	sshll.u32 s0, $0xA;
	s2 =	sadd.s32 s3, s2  }
0x8d: {  	s2 =	sadd.s32 s2, s14  }
0x8e: {  	[smem:$0x3FBD] =	sst s2  }
0x8f: {  	_ = 	snop  }
0x90: {  	s2 =	sld [smem:$0x3FD0];
	_ =	sdelay $0x2  }
0x91: {  	s15 =	simm.s32 $0xA;
	s4 =	simm.s32 $0x10  }
0x92: {  	[smem:s4], [sflag:s15] =	dma.local [hbm:s2], $0x1  }
0x93: {  	_ =	swait.eq [sflag:s15], $0x1  }
0x94: {  	[sflag:s15] =	ssyncset.done $0x0  }
0x95: {  	s16 =	sld [smem:$0x10];
	[sflag:s15] =	ssyncadd.s32 $0xFFFFFFFF  }
0x96: {  	s17 =	sld [smem:$0x11];
	(tm) =	ssettm $0x1  }
0x97: {  	s18 =	sld [smem:$0x3FFB];
	_ =	sdelay $0x3  }
0x98: {  	_ =	strace s18  }
0x99: {  	s4 =	sld [smem:$0x3FFC];
	_ =	sdelay $0x3  }
0x9a: {  	_ =	strace s4  }
0x9b: {  	s4 =	sld [smem:$0x3FFD];
	_ =	sdelay $0x3  }
0x9c: {  	_ =	strace s4  }
0x9d: {  	_ =	strace $0x8FFFFFFF  }
0x9e: {  	s19 =	sld [smem:$0x3FDB];
	_ =	sdelay $0x1  }
0x9f: {  	s5 =	simm.s32 $_scs_section_size  }
0xa0: {  	s6 =	simm.s32 $_size__tile_overlayer_lowered;
	s7 =	simm.s32 $_tile_overlayer_lowered  }
0xa1: {  	s22 =	simm.s32 $0x1BFF;
	s21 =	sshll.u32 s7, $0x1;
	s4 =	sadd.s32 s5, s19  }
0xa2: {  	s8 =	simm.s32 $0x0;
	s20 =	sshll.u32 s6, $0x1;
	s6 =	sadd.s32 s21, s4  }
0xa3: {  	[timem:s8], [sflag:s22] =	dma.local [hbm:s6], s20  }
0xa4: {  	_ =	swait.ge [sflag:s22], s20  }
0xa5: {  	s5 =	ssub.s32 $0x0, s20;
	[sflag:s22] =	ssyncset.done $0x0  }
0xa6: {  	[sflag:s22] =	ssyncadd.s32 s5;
	_ =	sdelay $0x1  }
0xa7: {  	s23 =	simm.s32 $0x1B8B  }
0xa8: {  	_ =	swait.ge [sflag:s23], $0x1  }
0xa9: {  	[sflag:s23] =	ssyncset.done $0x0  }
0xaa: {  	s25 =	simm.s32 $0x1B8E;
	s24 =	sld [smem:$0x3FFE];
	[sflag:s23] =	ssyncadd.s32 $0xFFFFFFFF  }
0xab: {  	s26 =	simm.s32 $execute0_lowered;
	[smem:$0x3FD2] =	sst s25  }
0xac: {  	s6 =	sshll.u32 s26, $0x1;
	_ =	strace $0x80000046;
	[dreg:$0x1] =	wrdreg $0xFFFFFFFF  }
0xad: {  	s28 =	simm.s32 $_size_execute0_lowered;
	s4 =	sadd.s32 s4, s6;
	[dreg:$0x0] =	wrdreg $0x0  }
0xae: {  	s6 =	sshll.u32 s28, $0x1;
	[dreg:$0x2] =	wrdreg s4  }
0xaf: {  	[dreg:$0x3] =	wrdreg s6  }
0xb0: {  	[dreg:$0x4] =	wrdreg $0xC0  }
0xb1: {  	_ =	task [dreg:s8], $0x5FFFF  }
0xb2: {  	[dreg:$0x1] =	wrdreg $0xFFFFFFFF  }
0xb3: {  	[dreg:$0x0] =	wrdreg $0x60  }
0xb4: {  	[dreg:$0x2] =	wrdreg s17  }
0xb5: {  	[dreg:$0x3] =	wrdreg s24  }
0xb6: {  	[dreg:$0x4] =	wrdreg s16  }
0xb7: {  	[dreg:$0x5] =	wrdreg $0x116200  }
0xb8: {  	[dreg:$0x6] =	wrdreg $0x9  }
0xb9: {  	_ =	task.clear_ibuf [dreg:s8], $0x7FFFF;
	_ =	strace $0x90000046  }
0xba: {  	s29 =	simm.s32 $0x9;
	_ =	strace $0x80000048  }
0xbb: {  	_ =	swait.ge [sflag:s29], $0x1  }
0xbc: {  	[sflag:s29] =	ssyncadd.s32 $0xFFFFFFFF  }
0xbd: {  	_ =	strace $0x90000048  }
0xbe: {  	_ =	sfence  }
0xbf: {  	s30 =	sld [smem:$0x0];
	_ =	sdelay $0x2  }
0xc0: {  	s31 =	sshll.u32 s1, $0xD;
	s1 =	sshrl.u32 s1, $0x2  }
0xc1: {  	s3 =	sand.u32 $0x4000, s31;
	s1 =	sadd.s32 s1, s30  }
0xc2: {  	s0 =	sor.u32 s3, s0;
	s1 =	sshll.u32 s1, $0x11  }
0xc3: {  	s0 =	sor.u32 s1, s0  }
0xc4: {  	s0 =	sadd.s32 $0x8F2B, s0  }
0xc5: {  	[sflag:s0] =	ssyncadd.remote.s32 $0x1  }
0xc6: {  	_ =	sfence.sel $0xFFFF  }
0xc7: {  	[dreg:$0x0] =	wrdreg $0xFFFFFFFF;
	(pc) =	sbr.abs _section_cstart, $3  }
0xc8: {  	[dreg:$0x1] =	wrdreg $0xFFFFFFFF  }
0xc9: {  	_ =	task.clear_ibuf [dreg:s8], $0x2FFFF;
	_ =	strace $0x9FFFFFFF  }
0xca: {  	(tm) =	ssettm $0x7FFFFFFF  }
0xcb: {  	_ =	shalt  }
tec
execute0_lowered:
.L_overlay_start_1:
0x0: {  	(tag) =	ssettag $0x1  }
0x1: {  	s1 =	rddreg [dreg:$0x0]  }
0x2: {  	s0 =	srdreg.scid;
	s2 =	rddreg [dreg:$0x1]  }
0x3: {  	s7 =	stileid.u32;
	s14 =	rddreg [dreg:$0x2];
	s17 =	simm.s32 $0x4E20  }
0x4: {  	s18 =	simm.s32 $0x3;
	s19 =	simm.s32 $0x2710;
	s20 =	simm.s32 $0x50  }
0x5: {  	s21 =	simm.s32 $0x6720;
	s23 =	simm.s32 $0x8020;
	s25 =	simm.s32 $0x9920  }
0x6: {  	s26 =	simm.s32 $0x1;
	s31 =	simm.s32 $0x2;
	s6 =	smul.u32 $0x14000, s7  }
0x7: {  	s0 =	sand.u32 $0x1, s0;
	s3 =	sshll.u32 s7, $0x1;
	s7 =	smul.u32 $0x32000, s7  }
0x8: {  	s22 =	simm.s32 $0x0;
	s4 =	sor.u32 s0, s3;
	s5 =	smul.u32 $0x140000, s0  }
0x9: {  	s3 =	rddreg [dreg:$0x3];
	s0 =	ssub.s32 $0x2, s0;
	s15 =	smul.u32 $0x4E2, s4  }
0xa: {  	s4 =	simm.s32 $0x0;
	s28 =	sshrl.u32 s0, $0x1;
	s7 =	sshrl.u32 s7, $0x2  }
0xb: {  	[smem:$0x7FF] =	sst s4;
	s5 =	sadd.s32 s6, s5;
	s0 =	ssub.s32 s0, s28  }
0xc: {  	_ =	strace $0x80000047;
	s13 =	sadd.s32 s15, s2;
	s5 =	sshrl.u32 s5, $0x3  }
0xd: {  	s14 =	sadd.s32 s14, s15;
	s2 =	sadd.s32 s5, s2;
	s5 =	sadd.s32 s7, s3  }
0xe: {  	s16 =	smax.u32 s0, $0x1;
	s13 =	sadd.s32 $0x1400, s13;
	s29 =	sadd.s32 $0x1900, s5  }
0xf: {  	s30 =	sadd.s32 $0x3200, s5;
	s8 =	sadd.s32 $0x4B00, s5;
	s9 =	sadd.s32 $0x6400, s5  }
0x10: {  	s10 =	sadd.s32 $0x7D00, s5;
	s11 =	sadd.s32 $0x9600, s5;
	[dreg:$0x5] =	wrdreg s29  }
0x11: {  	v0 =	vimm.f32 $0.0e+00;
	s12 =	sadd.s32 $0xAF00, s5;
	s15 =	sadd.s32 $0xB200, s2;
	[dreg:$0x6] =	wrdreg s30  }
.LBB2_1:
0x12: {  	s28 =	simm.s32 $0x140;
	s24 =	simm.s32 $0x0  }
.LBB2_2:
0x13: {  	p0 =	sne.s32 s28, $0x62C0;
	[tilespmem:s24+$0x4E60] =	vst v0;
	s0 =	smov.u32 s28;
	s28 =	sadd.s32 $0x140, s28  }
.Ltmp0:
0x14: {  	[tilespmem:s24+$0x4E50] =	vst v0;
	(pc) =	sbr.rel @p0 .LBB2_2-.Ltmp0, $4  }
0x15: {  	[tilespmem:s24+$0x4E40] =	vst v0  }
0x16: {  	[tilespmem:s24+$0x4E20] =	vst v0  }
0x17: {  	[tilespmem:s24+$0x4E30] =	vst v0  }
0x18: {  	s24 =	sshra.s32 s0, $0x2  }
0x19: {  	[tilespmem:s24+$0x4E60] =	vst v0  }
0x1a: {  	[tilespmem:s24+$0x4E50] =	vst v0  }
0x1b: {  	[tilespmem:s24+$0x4E40] =	vst v0  }
0x1c: {  	[tilespmem:s24+$0x4E20] =	vst v0  }
0x1d: {  	[tilespmem:s24+$0x4E30] =	vst v0  }
0x1e: {  	[spmem:s5] =	stream.linear.scatter [tilespmem:s17], [sflag:$0x3], $0x1900, $0x38;
	[tilespmem:$0x1DE20] =	vst v63  }
0x1f: {  	_ =	swait.ge [sflag:s18], $0x1900  }
0x20: {  	[sflag:s18] =	ssyncset.done $0x0  }
0x21: {  	s0 =	rddreg [dreg:$0x5];
	[sflag:s18] =	ssyncadd.s32 $0xFFFFE700  }
0x22: {  	[spmem:s0] =	stream.linear.scatter [tilespmem:s17], [sflag:$0x3], $0x1900, $0x38;
	[tilespmem:$0x1DE20] =	vst v63  }
0x23: {  	_ =	swait.ge [sflag:s18], $0x1900  }
0x24: {  	[sflag:s18] =	ssyncset.done $0x0  }
0x25: {  	s2 =	rddreg [dreg:$0x6];
	[sflag:s18] =	ssyncadd.s32 $0xFFFFE700  }
0x26: {  	[spmem:s2] =	stream.linear.scatter [tilespmem:s17], [sflag:$0x3], $0x1900, $0x38;
	[tilespmem:$0x1DE20] =	vst v63  }
0x27: {  	_ =	swait.ge [sflag:s18], $0x1900  }
0x28: {  	[sflag:s18] =	ssyncset.done $0x0  }
0x29: {  	[sflag:s18] =	ssyncadd.s32 $0xFFFFE700  }
0x2a: {  	[spmem:s8] =	stream.linear.scatter [tilespmem:s17], [sflag:$0x3], $0x1900, $0x38;
	[tilespmem:$0x1DE20] =	vst v63  }
0x2b: {  	_ =	swait.ge [sflag:s18], $0x1900  }
0x2c: {  	[sflag:s18] =	ssyncset.done $0x0  }
0x2d: {  	[sflag:s18] =	ssyncadd.s32 $0xFFFFE700  }
0x2e: {  	[spmem:s9] =	stream.linear.scatter [tilespmem:s17], [sflag:$0x3], $0x1900, $0x38;
	[tilespmem:$0x1DE20] =	vst v63  }
0x2f: {  	_ =	swait.ge [sflag:s18], $0x1900  }
0x30: {  	[sflag:s18] =	ssyncset.done $0x0  }
0x31: {  	[sflag:s18] =	ssyncadd.s32 $0xFFFFE700  }
0x32: {  	[spmem:s10] =	stream.linear.scatter [tilespmem:s17], [sflag:$0x3], $0x1900, $0x38;
	[tilespmem:$0x1DE20] =	vst v63  }
0x33: {  	_ =	swait.ge [sflag:s18], $0x1900  }
0x34: {  	[sflag:s18] =	ssyncset.done $0x0  }
0x35: {  	[sflag:s18] =	ssyncadd.s32 $0xFFFFE700  }
0x36: {  	[spmem:s11] =	stream.linear.scatter [tilespmem:s17], [sflag:$0x3], $0x1900, $0x38;
	[tilespmem:$0x1DE20] =	vst v63  }
0x37: {  	_ =	swait.ge [sflag:s18], $0x1900  }
0x38: {  	[sflag:s18] =	ssyncset.done $0x0  }
0x39: {  	[sflag:s18] =	ssyncadd.s32 $0xFFFFE700  }
0x3a: {  	[spmem:s12] =	stream.linear.scatter [tilespmem:s17], [sflag:$0x3], $0x1900, $0x38;
	[tilespmem:$0x1DE20] =	vst v63  }
0x3b: {  	_ =	swait.ge [sflag:s18], $0x1900  }
0x3c: {  	[sflag:s18] =	ssyncset.done $0x0  }
0x3d: {  	[sflag:s18] =	ssyncadd.s32 $0xFFFFE700  }
0x3e: {  	[bflag:$0x0] =	sbarrier.arrive $0xFFFF  }
0x3f: {  	[tilespmem:s4], [sflag:$0x3] =	stream.linear.gather [hbm4b:s13+s4], $0x2710, $0x38;
	[tilespmem:$0x1DE20] =	vst v63  }
0x40: {  	_ =	swait.ge [sflag:s18], $0x2710  }
0x41: {  	[sflag:s18] =	ssyncset.done $0x0  }
0x42: {  	[sflag:s18] =	ssyncadd.s32 $0xFFFFD8F0  }
0x43: {  	[tilespmem:s19], [sflag:$0x3] =	stream.linear.gather [hbm4b:s14+s4], $0x2710, $0x38;
	[tilespmem:$0x1DE20] =	vst v63  }
0x44: {  	_ =	swait.ge [sflag:s18], $0x2710  }
0x45: {  	[sflag:s18] =	ssyncset.done $0x0  }
0x46: {  	[sflag:s18] =	ssyncadd.s32 $0xFFFFD8F0  }
0x47: {  	[tilespmem:s17], [sflag:$0x1] =	stream.indirect.gather [hbm4b:s1+s20], $0x50, s4, s20, $0xb8;
	[tilespmem:$0x1DE20] =	vst v63  }
0x48: {  	_ = 	snop  }
0x49: {  	[tilespmem:s21], [sflag:$0x1] =	stream.indirect.gather [hbm4b:s1+s20], $0x50, s20, s20, $0xb8;
	[tilespmem:$0x1DE20] =	vst v63  }
0x4a: {  	s6 =	simm.s32 $0xA0  }
0x4b: {  	[tilespmem:s23], [sflag:$0x1] =	stream.indirect.gather [hbm4b:s1+s20], $0x50, s6, s20, $0xb8;
	[tilespmem:$0x1DE20] =	vst v63  }
0x4c: {  	s7 =	simm.s32 $0xF0  }
0x4d: {  	[tilespmem:s25], [sflag:$0x1] =	stream.indirect.gather [hbm4b:s1+s20], $0x50, s7, s20, $0xb8;
	[tilespmem:$0x1DE20] =	vst v63  }
0x4e: {  	_ =	swait.ge [sflag:s26], $0x1900  }
0x4f: {  	[sflag:s26] =	ssyncset.done $0x0  }
0x50: {  	[sflag:s26] =	ssyncadd.s32 $0xFFFFE700  }
0x51: {  	[spmem:s3] =	stream.indirect.scatter.add.f32 [tilespmem:s17], [sflag:$0x2], $0x50, s19, s20, $0xb8;
	[tilespmem:$0x1DE20] =	vst v63  }
0x52: {  	s24 =	simm.s32 $0x140;
	s2 =	simm.s32 $0xB220  }
0x53: {  	[tilespmem:s2], [sflag:$0x1] =	stream.indirect.gather [hbm4b:s1+s20], $0x50, s24, s20, $0xb8;
	[tilespmem:$0x1DE20] =	vst v63  }
0x54: {  	_ =	swait.ge [sflag:s26], $0x1900  }
0x55: {  	[sflag:s26] =	ssyncset.done $0x0  }
0x56: {  	s6 =	simm.s32 $0x2760;
	[sflag:s26] =	ssyncadd.s32 $0xFFFFE700  }
0x57: {  	[spmem:s3] =	stream.indirect.scatter.add.f32 [tilespmem:s21], [sflag:$0x2], $0x50, s6, s20, $0xb8;
	[tilespmem:$0x1DE20] =	vst v63  }
0x58: {  	s7 =	simm.s32 $0x190;
	s24 =	simm.s32 $0xCB20  }
0x59: {  	[tilespmem:s24], [sflag:$0x1] =	stream.indirect.gather [hbm4b:s1+s20], $0x50, s7, s20, $0xb8;
	[tilespmem:$0x1DE20] =	vst v63  }
0x5a: {  	_ =	swait.ge [sflag:s26], $0x1900  }
0x5b: {  	[sflag:s26] =	ssyncset.done $0x0  }
0x5c: {  	s6 =	simm.s32 $0x27B0;
	[sflag:s26] =	ssyncadd.s32 $0xFFFFE700  }
0x5d: {  	[spmem:s3] =	stream.indirect.scatter.add.f32 [tilespmem:s23], [sflag:$0x2], $0x50, s6, s20, $0xb8;
	[tilespmem:$0x1DE20] =	vst v63  }
0x5e: {  	s7 =	simm.s32 $0x1E0;
	s24 =	simm.s32 $0xE420  }
0x5f: {  	[tilespmem:s24], [sflag:$0x1] =	stream.indirect.gather [hbm4b:s1+s20], $0x50, s7, s20, $0xb8;
	[tilespmem:$0x1DE20] =	vst v63  }
0x60: {  	_ =	swait.ge [sflag:s26], $0x1900  }
0x61: {  	s28 =	simm.s32 $0x2850;
	s24 =	simm.s32 $0x4;
	[sflag:s26] =	ssyncset.done $0x0  }
0x62: {  	s2 =	simm.s32 $0x2800;
	s0 =	sand.u32 $0x7, s24;
	[sflag:s26] =	ssyncadd.s32 $0xFFFFE700  }
0x63: {  	[spmem:s3] =	stream.indirect.scatter.add.f32 [tilespmem:s25], [sflag:$0x2], $0x50, s2, s20, $0xb8;
	[tilespmem:$0x1DE20] =	vst v63  }
0x64: {  	s6 =	simm.s32 $0x230;
	s7 =	simm.s32 $0xFD20;
	s0 =	smul.u32 $0x6400, s0  }
0x65: {  	[tilespmem:s7], [sflag:$0x1] =	stream.indirect.gather [hbm4b:s1+s20], $0x50, s6, s20, $0xb8;
	[tilespmem:$0x1DE20] =	vst v63  }
0x66: {  	p0 =	por $0x0, $0x0;
	s29 =	simm.s32 $0x2D0;
	_ =	swait.ge [sflag:s26], $0x1900  }
0x67: {  	s2 =	simm.s32 $0x8;
	s0 =	sshrl.u32 s0, $0x2;
	[sflag:s26] =	ssyncset.done $0x0  }
0x68: {  	s0 =	sadd.s32 $0x4E20, s0;
	s2 =	sand.u32 @!p0 $0x7, s2;
	[sflag:s26] =	ssyncadd.s32 $0xFFFFE700  }
0x69: {  	[spmem:s3] =	stream.indirect.scatter.add.f32 [tilespmem:s0], [sflag:$0x2], $0x50, s28, s20, $0xb8;
	[tilespmem:$0x1DE20] =	vst v63  }
0x6a: {  	s30 =	simm.s32 $0x28A0;
	s0 =	smul.u32 @!p0 $0x6400, s2;
	_ =	swait.ge [sflag:s31], $0x1900  }
0x6b: {  	s24 =	simm.s32 $0x280;
	s28 =	simm.s32 $0x9;
	[sflag:s31] =	ssyncset.done $0x0  }
0x6c: {  	s2 =	simm.s32 @!p0 $0x50;
	s0 =	sshrl.u32 @!p0 s0, $0x2;
	[sflag:s31] =	ssyncadd.s32 $0xFFFFE700  }
.LBB2_4:
0x6d: {  	s6 =	sadd.s32 $0xFFFFFFFC, s28  }
0x6e: {  	s0 =	sadd.s32 @!p0 $0x4E20, s0;
	s7 =	smov.u32 s28;
	s28 =	sadd.s32 $0x1, s28  }
0x6f: {  	[tilespmem:s0], [sflag:$0x1] =	stream.indirect.gather @!p0 [hbm4b:s1+s2], $0x50, s24, s2, $0xb8;
	[tilespmem:$0x1DE20] =	vst v63  }
0x70: {  	s0 =	sand.u32 $0x7, s6;
	p1 =	sne.s32 s28, $0x81;
	s24 =	smov.u32 s29  }
0x71: {  	s0 =	smul.u32 $0x6400, s0  }
0x72: {  	p0 =	sgt.u32 s6, $0x78;
	_ =	swait.ge [sflag:s26], $0x1900  }
0x73: {  	s2 =	sand.u32 @!p0 $0x7, s7;
	s0 =	sshrl.u32 s0, $0x2;
	[sflag:s26] =	ssyncset.done $0x0  }
.Ltmp1:
0x74: {  	s0 =	sadd.s32 $0x4E20, s0;
	[sflag:s26] =	ssyncadd.s32 $0xFFFFE700;
	(pc) =	sbr.rel @p1 .LBB2_4-.Ltmp1, $4  }
0x75: {  	[spmem:s3] =	stream.indirect.scatter.add.f32 [tilespmem:s0], [sflag:$0x2], $0x50, s30, s20, $0xb8;
	[tilespmem:$0x1DE20] =	vst v63  }
0x76: {  	s0 =	smul.u32 @!p0 $0x6400, s2;
	_ =	swait.ge [sflag:s31], $0x1900  }
0x77: {  	s29 =	sadd.s32 $0x50, s29;
	s30 =	sadd.s32 $0x50, s30;
	[sflag:s31] =	ssyncset.done $0x0  }
0x78: {  	s2 =	simm.s32 @!p0 $0x50;
	s0 =	sshrl.u32 @!p0 s0, $0x2;
	[sflag:s31] =	ssyncadd.s32 $0xFFFFE700  }
0x79: {  	s0 =	sadd.s32 @!p0 $0x4E20, s0  }
0x7a: {  	[tilespmem:s0], [sflag:$0x1] =	stream.indirect.gather @!p0 [hbm4b:s1+s2], $0x50, s24, s2, $0xb8;
	[tilespmem:$0x1DE20] =	vst v63  }
0x7b: {  	_ =	swait.ge [sflag:s31], $0x1900  }
0x7c: {  	[sflag:s31] =	ssyncset.done $0x0  }
0x7d: {  	[sflag:s31] =	ssyncadd.s32 $0xFFFFE700  }
0x7e: {  	_ =	swait.ge [sflag:s31], $0x1900  }
0x7f: {  	[sflag:s31] =	ssyncset.done $0x0  }
0x80: {  	[sflag:s31] =	ssyncadd.s32 $0xFFFFE700  }
0x81: {  	_ =	swait.ge [sflag:s31], $0x1900  }
0x82: {  	[sflag:s31] =	ssyncset.done $0x0  }
0x83: {  	s29 =	stileid.u32;
	[sflag:s31] =	ssyncadd.s32 $0xFFFFE700  }
0x84: {  	s30 =	sshrl.u32 s5, $0x3;
	s6 =	simm.s32 $0x10;
	_ =	swait.ge [sflag:s31], $0x1900  }
0x85: {  	s7 =	simm.s32 $0xA;
	s22 =	sadd.s32 $0x1, s22;
	[sflag:s31] =	ssyncset.done $0x0  }
0x86: {  	s0 =	sshll.u32 s29, $0x6;
	p0 =	sne.s32 s22, s16;
	[sflag:s31] =	ssyncadd.s32 $0xFFFFE700  }
.Ltmp2:
0x87: {  	s0 =	sor.u32 $0x1C03, s0;
	[bflag:$0x0] =	sbarrier.arrive $0xFFFF;
	(pc) =	sbr.rel @p0 .LBB2_1-.Ltmp2, $4  }
0x88: {  	[hbm:s15@s6], [sflag:s0] =	dma.strided [spmem:s30@s7], $0x1900, s26, $0xa   }
0x89: {  	_ =	swait.ge [sflag:s18], $0x1900  }
0x8a: {  	[sflag:s18] =	ssyncset.done $0x0  }
0x8b: {  	[sflag:s18] =	ssyncadd.s32 $0xFFFFE700  }
0x8c: {  	_ =	sfence.sel $0x180000  }
0x8d: {  	[bflag:$0x0] =	sbarrier.arrive $0xFFFF  }
0x8e: {  	_ =	strace $0x90000047  }
0x8f: {  	s0 =	stileid.u32;
	[bflag:$0x2] =	sbarrier.arrive $0xFFFF  }
0x90: {  	p0 =	sne.s32 s0, $0x0;
	s0 =	rddreg [dreg:$0x4]  }
0x91: {  	s0 =	sadd.s32 @!p0 $0x100000, s0  }
0x92: {  	[sflag:s0] =	ssyncadd.tile.s32 @!p0 $0x1;
	_ =	shalt  }
.Lfunc_end2:
_tile_overlayer_lowered:
.L_overlay_start_2:
0x93: {  	(tag) =	ssettag $0x2  }
0x94: {  	s0 =	rddreg [dreg:$0x0];
	s2 =	stileid.u32  }
0x95: {  	s1 =	rddreg [dreg:$0x1];
	p0 =	sne.s32 s2, $0x0  }
0x96: {  	s3 =	rddreg [dreg:$0x2];
	[bflag:$0x3] =	sbarrier.arrive $0xFFFF;
	s2 =	simm.s32 @!p0 $0x1C03  }
0x97: {  	[timem:s3], [sflag:s2] =	dma.local @!p0 [hbm:s0], s1  }
0x98: {  	s0 =	simm.s32 @!p0 $0x3  }
0x99: {  	_ =	swait.ge @!p0 [sflag:s0], s1  }
0x9a: {  	s1 =	ssub.s32 @!p0 $0x0, s1;
	[sflag:s0] =	ssyncset.done @!p0 $0x0  }
0x9b: {  	[sflag:s0] =	ssyncadd.s32 @!p0 s1  }
0x9c: {  	[bflag:$0x3] =	sbarrier.arrive $0xFFFF  }
0x9d: {  	_ =	shalt  }

</sc_bundles>
